<compile_context>
chip_gen: v7x
topology: tpu7x:2x2x1
jax: 0.10.2.dev20260603
libtpu: 0.0.44.dev20260713+nightly
codegen_flags: <defaults>
</compile_context>

<pallas_src>
import functools
import jax
import jax.numpy as jnp
from jax import lax
from jax.experimental import pallas as pl
from jax.experimental.pallas import tpu as pltpu
from jax.experimental.pallas import tpu_sc as plsc

D = 64
ROWS = 16384
COLS = 20
NC, NS, L = 2, 16, 16
NW = NC * NS
RPW = ROWS // NW
BPW = RPW * COLS
XC = 32
C = XC * COLS
NCHUNK = RPW // XC
SCALE = 8.0

_mesh = plsc.VectorSubcoreMesh(core_axis_name="c", subcore_axis_name="s")


@functools.partial(
    pl.kernel,
    out_type=jax.ShapeDtypeStruct((ROWS, COLS, D), jnp.float32),
    mesh=_mesh,
    scratch_types=[
        pltpu.VMEM((RPW, COLS), jnp.int32),
        pltpu.VMEM((BPW,), jnp.int32),
        pltpu.VMEM((C, D), jnp.float32),
        pltpu.VMEM((XC, COLS, D), jnp.float32),
        pltpu.SemaphoreType.DMA,
    ],
    compiler_params=pltpu.CompilerParams(
        use_tc_tiling_on_sc=False, needs_layout_passes=False
    ),
)
def _emb(x_hbm, table_hbm, out_hbm, idx_c, idx_v, rows_v, out_c, sem):
    wid = lax.axis_index("s") * NC + lax.axis_index("c")
    pltpu.sync_copy(x_hbm.at[pl.ds(wid * RPW, RPW)], idx_c)

    lane = lax.iota(jnp.int32, L)

    def flatten_body(m, _):
        for j in range(5):
            g = lane + j * L
            rj = lax.shift_right_logical(g * 3277, 16)
            cj = g - COLS * rj
            v = plsc.load_gather(idx_c, [m * 4 + rj, cj])
            idx_v[pl.ds(m * 80 + j * L, L)] = v
        return 0

    lax.fori_loop(0, RPW // 4, flatten_body, 0)

    def chunk_body(g, _):
        off = pl.multiple_of(g * C, C)
        pltpu.async_copy(
            table_hbm.at[idx_v.at[pl.ds(off, C)]], rows_v, sem
        ).wait()

        def scale_row(q, _):
            for c in range(COLS):
                for j in range(D // L):
                    sl = pl.ds(j * L, L)
                    out_c[q, c, sl] = rows_v[q * COLS + c, sl] * SCALE
            return 0

        lax.fori_loop(0, XC, scale_row, 0)
        pltpu.sync_copy(out_c, out_hbm.at[pl.ds(wid * RPW + g * XC, XC)])
        return 0

    lax.fori_loop(0, NCHUNK, chunk_body, 0)


def kernel(x, table):
    return _emb(x.astype(jnp.int32), table)

# --- scband reference (transcript-rebuilt; emitter-appended) ---
"""Pipeline reference for scband-embedding-3152505995301 (READ-ONLY COPY).

The authoritative reference and input builder live on the scoring server;
editing this copy changes nothing except your own understanding.
"""

import math
import jax, jax.numpy as jnp
import numpy as np

VOCAB_SIZE = 1000000
D_MODEL = 64


def setup_inputs(seed: int = 0) -> dict:
    key = jax.random.key(seed)
    k_idx, k_tab = jax.random.split(key)
    x = jax.random.randint(k_idx, (16384, 20), 0, VOCAB_SIZE, dtype=jnp.int64 if jax.config.jax_enable_x64 else jnp.int32)
    table = jax.random.normal(k_tab, (VOCAB_SIZE, D_MODEL), dtype=jnp.float32)
    return {"x": x, "table": table}


def reference(x, table):
    # Faithful translation: embedding lookup scaled by sqrt(d_model).
    emb = jnp.take(table, x, axis=0)
    return emb * math.sqrt(D_MODEL)

if __name__ == "__main__":
    import jax
    _d = setup_inputs()
    print(jax.jit(kernel)(*tuple(_d.values())))

</pallas_src>

<mosaic_0001>
#map = affine_map<(d0, d1) -> (0, 0)>
#map1 = affine_map<(d0, d1) -> (0, 0, 0)>
module attributes {stable_mosaic.version = 14 : i64} {
  func.func @_emb(%arg0: i32, %arg1: i32, %arg2: memref<16384x20xi32, #tpu.memory_space<hbm>>, %arg3: memref<1000000x64xf32, #tpu.memory_space<hbm>>, %arg4: memref<16384x20x64xf32, #tpu.memory_space<hbm>>, %arg5: memref<512x20xi32, #tpu.memory_space<vmem>>, %arg6: memref<10240xi32, #tpu.memory_space<vmem>>, %arg7: memref<640x64xf32, #tpu.memory_space<vmem>>, %arg8: memref<32x20x64xf32, #tpu.memory_space<vmem>>, %arg9: memref<!tpu.dma_semaphore, #tpu.memory_space<semaphore_mem>>) attributes {dimension_semantics = [#tpu.dimension_semantics<core_parallel>, #tpu.dimension_semantics<subcore_parallel>], iteration_bounds = array<i64: 2, 16>, scalar_prefetch = 0 : i64, scratch_operands = 5 : i64, tpu.core_type = #tpu.core_type<sc_vector_subcore>, window_params = [{transform_indices = #map}, {transform_indices = #map}, {transform_indices = #map1}]} {
    %mul3A = arith.constant 2 : i32
    %mul3A_0 = arith.muli %arg1, %mul3A : i32
    %add3A = arith.addi %mul3A_0, %arg0 : i32
    %mul3A_1 = arith.constant 512 : i32
    %mul3A_2 = arith.muli %add3A, %mul3A_1 : i32
    "tpu.region"() ({
      %run_scoped3A = tpu.sem_alloc : memref<!tpu.dma_semaphore, #tpu.memory_space<semaphore_mem>>
      %dma_start3A = arith.constant 0 : i32
      %dma_start3A_16 = tpu.memref_slice %arg2[%mul3A_2, %dma_start3A] : memref<16384x20xi32, #tpu.memory_space<hbm>> -> memref<512x20xi32, #tpu.memory_space<hbm>>
      %dma_start3A_17 = arith.constant 0 : i32
      %dma_start3A_18 = tpu.memref_slice %arg2[%mul3A_2, %dma_start3A_17] : memref<16384x20xi32, #tpu.memory_space<hbm>> -> memref<512x20xi32, #tpu.memory_space<hbm>>
      tpu.enqueue_dma source(%dma_start3A_18 : memref<512x20xi32, #tpu.memory_space<hbm>>) target(%arg5 : memref<512x20xi32, #tpu.memory_space<vmem>>) target_semaphore(%run_scoped3A : memref<!tpu.dma_semaphore, #tpu.memory_space<semaphore_mem>>)
      %dma_wait3A = arith.constant 0 : i32
      %dma_wait3A_19 = tpu.memref_slice %arg2[%mul3A_2, %dma_wait3A] : memref<16384x20xi32, #tpu.memory_space<hbm>> -> memref<512x20xi32, #tpu.memory_space<hbm>>
      %dma_wait3A_20 = arith.constant 0 : i32
      %dma_wait3A_21 = tpu.memref_slice %arg2[%mul3A_2, %dma_wait3A_20] : memref<16384x20xi32, #tpu.memory_space<hbm>> -> memref<512x20xi32, #tpu.memory_space<hbm>>
      tpu.wait_dma2 semaphore(%run_scoped3A : memref<!tpu.dma_semaphore, #tpu.memory_space<semaphore_mem>>) src(%dma_wait3A_21 : memref<512x20xi32, #tpu.memory_space<hbm>>) dst(%arg5 : memref<512x20xi32, #tpu.memory_space<vmem>>)
      tpu.yield
    }) : () -> ()
    %iota3A = tpu.iota {dimensions = array<i32: 0>} : vector<16xi32>
    %scan3A = arith.constant 0 : i32
    %scan3A_3 = arith.constant 0 : i32
    %scan3A_4 = arith.constant 128 : i32
    %scan3A_5 = arith.addi %scan3A_3, %scan3A_4 : i32
    %scan3A_6 = arith.constant 1 : i32
    %scan3A_7 = scf.for %scan3A_16 = %scan3A_3 to %scan3A_5 step %scan3A_6 iter_args(%scan3A_17 = %scan3A) -> (i32)  : i32 {
      %add3A_18 = arith.constant 0 : i32
      %add3A_19 = vector.broadcast %add3A_18 : i32 to vector<16xi32>
      %add3A_20 = arith.addi %iota3A, %add3A_19 : vector<16xi32>
      %mul3A_21 = arith.constant 3277 : i32
      %mul3A_22 = vector.broadcast %mul3A_21 : i32 to vector<16xi32>
      %mul3A_23 = arith.muli %add3A_20, %mul3A_22 : vector<16xi32>
      %shift_right_logical3A = arith.constant 16 : i32
      %shift_right_logical3A_24 = vector.broadcast %shift_right_logical3A : i32 to vector<16xi32>
      %shift_right_logical3A_25 = arith.shrui %mul3A_23, %shift_right_logical3A_24 : vector<16xi32>
      %mul3A_26 = arith.constant 20 : i32
      %mul3A_27 = vector.broadcast %mul3A_26 : i32 to vector<16xi32>
      %mul3A_28 = arith.muli %mul3A_27, %shift_right_logical3A_25 : vector<16xi32>
      %sub3A = arith.subi %add3A_20, %mul3A_28 : vector<16xi32>
      %mul3A_29 = arith.constant 4 : i32
      %mul3A_30 = arith.muli %scan3A_16, %mul3A_29 : i32
      %add3A_31 = vector.broadcast %mul3A_30 : i32 to vector<16xi32>
      %add3A_32 = arith.addi %add3A_31, %shift_right_logical3A_25 : vector<16xi32>
      %gather3A = tpu.vector_load_idx %arg5[%add3A_32, %sub3A] : memref<512x20xi32, #tpu.memory_space<vmem>>[vector<16xi32>, vector<16xi32>], vector<16xi32>,
      %mul3A_33 = arith.constant 80 : i32
      %mul3A_34 = arith.muli %scan3A_16, %mul3A_33 : i32
      %add3A_35 = arith.constant 0 : i32
      %add3A_36 = arith.addi %mul3A_34, %add3A_35 : i32
      %swap3A = arith.index_cast %add3A_36 : i32 to index
      %swap3A_37 = tpu.vector_load %arg6[%swap3A] {strides = array<i32>} : memref<10240xi32, #tpu.memory_space<vmem>>, vector<16xi32>,
      tpu.vector_store %arg6[%swap3A], %gather3A {strides = array<i32>} : memref<10240xi32, #tpu.memory_space<vmem>>, vector<16xi32>,
      %add3A_38 = arith.constant 16 : i32
      %add3A_39 = vector.broadcast %add3A_38 : i32 to vector<16xi32>
      %add3A_40 = arith.addi %iota3A, %add3A_39 : vector<16xi32>
      %mul3A_41 = arith.constant 3277 : i32
      %mul3A_42 = vector.broadcast %mul3A_41 : i32 to vector<16xi32>
      %mul3A_43 = arith.muli %add3A_40, %mul3A_42 : vector<16xi32>
      %shift_right_logical3A_44 = arith.constant 16 : i32
      %shift_right_logical3A_45 = vector.broadcast %shift_right_logical3A_44 : i32 to vector<16xi32>
      %shift_right_logical3A_46 = arith.shrui %mul3A_43, %shift_right_logical3A_45 : vector<16xi32>
      %mul3A_47 = arith.constant 20 : i32
      %mul3A_48 = vector.broadcast %mul3A_47 : i32 to vector<16xi32>
      %mul3A_49 = arith.muli %mul3A_48, %shift_right_logical3A_46 : vector<16xi32>
      %sub3A_50 = arith.subi %add3A_40, %mul3A_49 : vector<16xi32>
      %mul3A_51 = arith.constant 4 : i32
      %mul3A_52 = arith.muli %scan3A_16, %mul3A_51 : i32
      %add3A_53 = vector.broadcast %mul3A_52 : i32 to vector<16xi32>
      %add3A_54 = arith.addi %add3A_53, %shift_right_logical3A_46 : vector<16xi32>
      %gather3A_55 = tpu.vector_load_idx %arg5[%add3A_54, %sub3A_50] : memref<512x20xi32, #tpu.memory_space<vmem>>[vector<16xi32>, vector<16xi32>], vector<16xi32>,
      %mul3A_56 = arith.constant 80 : i32
      %mul3A_57 = arith.muli %scan3A_16, %mul3A_56 : i32
      %add3A_58 = arith.constant 16 : i32
      %add3A_59 = arith.addi %mul3A_57, %add3A_58 : i32
      %swap3A_60 = arith.index_cast %add3A_59 : i32 to index
      %swap3A_61 = tpu.vector_load %arg6[%swap3A_60] {strides = array<i32>} : memref<10240xi32, #tpu.memory_space<vmem>>, vector<16xi32>,
      tpu.vector_store %arg6[%swap3A_60], %gather3A_55 {strides = array<i32>} : memref<10240xi32, #tpu.memory_space<vmem>>, vector<16xi32>,
      %add3A_62 = arith.constant 32 : i32
      %add3A_63 = vector.broadcast %add3A_62 : i32 to vector<16xi32>
      %add3A_64 = arith.addi %iota3A, %add3A_63 : vector<16xi32>
      %mul3A_65 = arith.constant 3277 : i32
      %mul3A_66 = vector.broadcast %mul3A_65 : i32 to vector<16xi32>
      %mul3A_67 = arith.muli %add3A_64, %mul3A_66 : vector<16xi32>
      %shift_right_logical3A_68 = arith.constant 16 : i32
      %shift_right_logical3A_69 = vector.broadcast %shift_right_logical3A_68 : i32 to vector<16xi32>
      %shift_right_logical3A_70 = arith.shrui %mul3A_67, %shift_right_logical3A_69 : vector<16xi32>
      %mul3A_71 = arith.constant 20 : i32
      %mul3A_72 = vector.broadcast %mul3A_71 : i32 to vector<16xi32>
      %mul3A_73 = arith.muli %mul3A_72, %shift_right_logical3A_70 : vector<16xi32>
      %sub3A_74 = arith.subi %add3A_64, %mul3A_73 : vector<16xi32>
      %mul3A_75 = arith.constant 4 : i32
      %mul3A_76 = arith.muli %scan3A_16, %mul3A_75 : i32
      %add3A_77 = vector.broadcast %mul3A_76 : i32 to vector<16xi32>
      %add3A_78 = arith.addi %add3A_77, %shift_right_logical3A_70 : vector<16xi32>
      %gather3A_79 = tpu.vector_load_idx %arg5[%add3A_78, %sub3A_74] : memref<512x20xi32, #tpu.memory_space<vmem>>[vector<16xi32>, vector<16xi32>], vector<16xi32>,
      %mul3A_80 = arith.constant 80 : i32
      %mul3A_81 = arith.muli %scan3A_16, %mul3A_80 : i32
      %add3A_82 = arith.constant 32 : i32
      %add3A_83 = arith.addi %mul3A_81, %add3A_82 : i32
      %swap3A_84 = arith.index_cast %add3A_83 : i32 to index
      %swap3A_85 = tpu.vector_load %arg6[%swap3A_84] {strides = array<i32>} : memref<10240xi32, #tpu.memory_space<vmem>>, vector<16xi32>,
      tpu.vector_store %arg6[%swap3A_84], %gather3A_79 {strides = array<i32>} : memref<10240xi32, #tpu.memory_space<vmem>>, vector<16xi32>,
      %add3A_86 = arith.constant 48 : i32
      %add3A_87 = vector.broadcast %add3A_86 : i32 to vector<16xi32>
      %add3A_88 = arith.addi %iota3A, %add3A_87 : vector<16xi32>
      %mul3A_89 = arith.constant 3277 : i32
      %mul3A_90 = vector.broadcast %mul3A_89 : i32 to vector<16xi32>
      %mul3A_91 = arith.muli %add3A_88, %mul3A_90 : vector<16xi32>
      %shift_right_logical3A_92 = arith.constant 16 : i32
      %shift_right_logical3A_93 = vector.broadcast %shift_right_logical3A_92 : i32 to vector<16xi32>
      %shift_right_logical3A_94 = arith.shrui %mul3A_91, %shift_right_logical3A_93 : vector<16xi32>
      %mul3A_95 = arith.constant 20 : i32
      %mul3A_96 = vector.broadcast %mul3A_95 : i32 to vector<16xi32>
      %mul3A_97 = arith.muli %mul3A_96, %shift_right_logical3A_94 : vector<16xi32>
      %sub3A_98 = arith.subi %add3A_88, %mul3A_97 : vector<16xi32>
      %mul3A_99 = arith.constant 4 : i32
      %mul3A_100 = arith.muli %scan3A_16, %mul3A_99 : i32
      %add3A_101 = vector.broadcast %mul3A_100 : i32 to vector<16xi32>
      %add3A_102 = arith.addi %add3A_101, %shift_right_logical3A_94 : vector<16xi32>
      %gather3A_103 = tpu.vector_load_idx %arg5[%add3A_102, %sub3A_98] : memref<512x20xi32, #tpu.memory_space<vmem>>[vector<16xi32>, vector<16xi32>], vector<16xi32>,
      %mul3A_104 = arith.constant 80 : i32
      %mul3A_105 = arith.muli %scan3A_16, %mul3A_104 : i32
      %add3A_106 = arith.constant 48 : i32
      %add3A_107 = arith.addi %mul3A_105, %add3A_106 : i32
      %swap3A_108 = arith.index_cast %add3A_107 : i32 to index
      %swap3A_109 = tpu.vector_load %arg6[%swap3A_108] {strides = array<i32>} : memref<10240xi32, #tpu.memory_space<vmem>>, vector<16xi32>,
      tpu.vector_store %arg6[%swap3A_108], %gather3A_103 {strides = array<i32>} : memref<10240xi32, #tpu.memory_space<vmem>>, vector<16xi32>,
      %add3A_110 = arith.constant 64 : i32
      %add3A_111 = vector.broadcast %add3A_110 : i32 to vector<16xi32>
      %add3A_112 = arith.addi %iota3A, %add3A_111 : vector<16xi32>
      %mul3A_113 = arith.constant 3277 : i32
      %mul3A_114 = vector.broadcast %mul3A_113 : i32 to vector<16xi32>
      %mul3A_115 = arith.muli %add3A_112, %mul3A_114 : vector<16xi32>
      %shift_right_logical3A_116 = arith.constant 16 : i32
      %shift_right_logical3A_117 = vector.broadcast %shift_right_logical3A_116 : i32 to vector<16xi32>
      %shift_right_logical3A_118 = arith.shrui %mul3A_115, %shift_right_logical3A_117 : vector<16xi32>
      %mul3A_119 = arith.constant 20 : i32
      %mul3A_120 = vector.broadcast %mul3A_119 : i32 to vector<16xi32>
      %mul3A_121 = arith.muli %mul3A_120, %shift_right_logical3A_118 : vector<16xi32>
      %sub3A_122 = arith.subi %add3A_112, %mul3A_121 : vector<16xi32>
      %mul3A_123 = arith.constant 4 : i32
      %mul3A_124 = arith.muli %scan3A_16, %mul3A_123 : i32
      %add3A_125 = vector.broadcast %mul3A_124 : i32 to vector<16xi32>
      %add3A_126 = arith.addi %add3A_125, %shift_right_logical3A_118 : vector<16xi32>
      %gather3A_127 = tpu.vector_load_idx %arg5[%add3A_126, %sub3A_122] : memref<512x20xi32, #tpu.memory_space<vmem>>[vector<16xi32>, vector<16xi32>], vector<16xi32>,
      %mul3A_128 = arith.constant 80 : i32
      %mul3A_129 = arith.muli %scan3A_16, %mul3A_128 : i32
      %add3A_130 = arith.constant 64 : i32
      %add3A_131 = arith.addi %mul3A_129, %add3A_130 : i32
      %swap3A_132 = arith.index_cast %add3A_131 : i32 to index
      %swap3A_133 = tpu.vector_load %arg6[%swap3A_132] {strides = array<i32>} : memref<10240xi32, #tpu.memory_space<vmem>>, vector<16xi32>,
      tpu.vector_store %arg6[%swap3A_132], %gather3A_127 {strides = array<i32>} : memref<10240xi32, #tpu.memory_space<vmem>>, vector<16xi32>,
      %scan3A_134 = arith.constant 0 : i32
      scf.yield %scan3A_134 : i32
    }
    %scan3A_8 = arith.constant 128 : i32
    %scan3A_9 = arith.constant 0 : i32
    %scan3A_10 = arith.constant 0 : i32
    %scan3A_11 = arith.constant 16 : i32
    %scan3A_12 = arith.addi %scan3A_10, %scan3A_11 : i32
    %scan3A_13 = arith.constant 1 : i32
    %scan3A_14 = scf.for %scan3A_16 = %scan3A_10 to %scan3A_12 step %scan3A_13 iter_args(%scan3A_17 = %scan3A_9) -> (i32)  : i32 {
      %mul3A_18 = arith.constant 640 : i32
      %mul3A_19 = arith.muli %scan3A_16, %mul3A_18 : i32
      %multiple_of3A = tpu.assume_multiple %mul3A_19, 640 : i32
      %dma_start3A = tpu.memref_slice %arg6[%multiple_of3A] : memref<10240xi32, #tpu.memory_space<vmem>> -> memref<640xi32, #tpu.memory_space<vmem>>
      %dma_start3A_20 = arith.constant 0 : i32
      %dma_start3A_21 = arith.constant 0 : i32
      %dma_start3A_22 = tpu.memref_slice %arg3[%dma_start3A_20, %dma_start3A_21] : memref<1000000x64xf32, #tpu.memory_space<hbm>> -> memref<1000000x64xf32, #tpu.memory_space<hbm>>
      tpu.enqueue_indirect_dma source(%dma_start3A_22 : memref<1000000x64xf32, #tpu.memory_space<hbm>>) target(%arg7 : memref<640x64xf32, #tpu.memory_space<vmem>>) offsets(%dma_start3A : memref<640xi32, #tpu.memory_space<vmem>>) semaphore(%arg9 : memref<!tpu.dma_semaphore, #tpu.memory_space<semaphore_mem>>)
      %dma_wait3A = tpu.memref_slice %arg6[%multiple_of3A] : memref<10240xi32, #tpu.memory_space<vmem>> -> memref<640xi32, #tpu.memory_space<vmem>>
      %dma_wait3A_23 = arith.constant 0 : i32
      %dma_wait3A_24 = arith.constant 0 : i32
      %dma_wait3A_25 = tpu.memref_slice %arg3[%dma_wait3A_23, %dma_wait3A_24] : memref<1000000x64xf32, #tpu.memory_space<hbm>> -> memref<1000000x64xf32, #tpu.memory_space<hbm>>
      tpu.wait_indirect_dma semaphore(%arg9 : memref<!tpu.dma_semaphore, #tpu.memory_space<semaphore_mem>>) src(%dma_wait3A_25 : memref<1000000x64xf32, #tpu.memory_space<hbm>>) dst(%arg7 : memref<640x64xf32, #tpu.memory_space<vmem>>)
      %scan3A_26 = arith.constant 0 : i32
      %scan3A_27 = arith.constant 0 : i32
      %scan3A_28 = arith.constant 32 : i32
      %scan3A_29 = arith.addi %scan3A_27, %scan3A_28 : i32
      %scan3A_30 = arith.constant 1 : i32
      %scan3A_31 = scf.for %scan3A_39 = %scan3A_27 to %scan3A_29 step %scan3A_30 iter_args(%scan3A_40 = %scan3A_26) -> (i32)  : i32 {
        %mul3A_41 = arith.constant 20 : i32
        %mul3A_42 = arith.muli %scan3A_39, %mul3A_41 : i32
        %add3A_43 = arith.constant 0 : i32
        %add3A_44 = arith.addi %mul3A_42, %add3A_43 : i32
        %get3A = arith.index_cast %add3A_44 : i32 to index
        %get3A_45 = arith.constant 0 : index
        %get3A_46 = tpu.vector_load %arg7[%get3A, %get3A_45] {strides = array<i32>} : memref<640x64xf32, #tpu.memory_space<vmem>>, vector<16xf32>,
        %mul3A_47 = arith.constant 8.000000e+00 : f32
        %mul3A_48 = vector.broadcast %mul3A_47 : f32 to vector<16xf32>
        %mul3A_49 = arith.mulf %get3A_46, %mul3A_48 : vector<16xf32>
        %swap3A = arith.constant 0 : i32
        %swap3A_50 = arith.index_cast %scan3A_39 : i32 to index
        %swap3A_51 = arith.index_cast %swap3A : i32 to index
        %swap3A_52 = arith.constant 0 : index
        %swap3A_53 = tpu.vector_load %arg8[%swap3A_50, %swap3A_51, %swap3A_52] {strides = array<i32>} : memref<32x20x64xf32, #tpu.memory_space<vmem>>, vector<16xf32>,
        tpu.vector_store %arg8[%swap3A_50, %swap3A_51, %swap3A_52], %mul3A_49 {strides = array<i32>} : memref<32x20x64xf32, #tpu.memory_space<vmem>>, vector<16xf32>,
        %mul3A_54 = arith.constant 20 : i32
        %mul3A_55 = arith.muli %scan3A_39, %mul3A_54 : i32
        %add3A_56 = arith.constant 0 : i32
        %add3A_57 = arith.addi %mul3A_55, %add3A_56 : i32
        %get3A_58 = arith.index_cast %add3A_57 : i32 to index
        %get3A_59 = arith.constant 16 : index
        %get3A_60 = tpu.vector_load %arg7[%get3A_58, %get3A_59] {strides = array<i32>} : memref<640x64xf32, #tpu.memory_space<vmem>>, vector<16xf32>,
        %mul3A_61 = arith.constant 8.000000e+00 : f32
        %mul3A_62 = vector.broadcast %mul3A_61 : f32 to vector<16xf32>
        %mul3A_63 = arith.mulf %get3A_60, %mul3A_62 : vector<16xf32>
        %swap3A_64 = arith.constant 0 : i32
        %swap3A_65 = arith.index_cast %scan3A_39 : i32 to index
        %swap3A_66 = arith.index_cast %swap3A_64 : i32 to index
        %swap3A_67 = arith.constant 16 : index
        %swap3A_68 = tpu.vector_load %arg8[%swap3A_65, %swap3A_66, %swap3A_67] {strides = array<i32>} : memref<32x20x64xf32, #tpu.memory_space<vmem>>, vector<16xf32>,
        tpu.vector_store %arg8[%swap3A_65, %swap3A_66, %swap3A_67], %mul3A_63 {strides = array<i32>} : memref<32x20x64xf32, #tpu.memory_space<vmem>>, vector<16xf32>,
        %mul3A_69 = arith.constant 20 : i32
        %mul3A_70 = arith.muli %scan3A_39, %mul3A_69 : i32
        %add3A_71 = arith.constant 0 : i32
        %add3A_72 = arith.addi %mul3A_70, %add3A_71 : i32
        %get3A_73 = arith.index_cast %add3A_72 : i32 to index
        %get3A_74 = arith.constant 32 : index
        %get3A_75 = tpu.vector_load %arg7[%get3A_73, %get3A_74] {strides = array<i32>} : memref<640x64xf32, #tpu.memory_space<vmem>>, vector<16xf32>,
        %mul3A_76 = arith.constant 8.000000e+00 : f32
        %mul3A_77 = vector.broadcast %mul3A_76 : f32 to vector<16xf32>
        %mul3A_78 = arith.mulf %get3A_75, %mul3A_77 : vector<16xf32>
        %swap3A_79 = arith.constant 0 : i32
        %swap3A_80 = arith.index_cast %scan3A_39 : i32 to index
        %swap3A_81 = arith.index_cast %swap3A_79 : i32 to index
        %swap3A_82 = arith.constant 32 : index
        %swap3A_83 = tpu.vector_load %arg8[%swap3A_80, %swap3A_81, %swap3A_82] {strides = array<i32>} : memref<32x20x64xf32, #tpu.memory_space<vmem>>, vector<16xf32>,
        tpu.vector_store %arg8[%swap3A_80, %swap3A_81, %swap3A_82], %mul3A_78 {strides = array<i32>} : memref<32x20x64xf32, #tpu.memory_space<vmem>>, vector<16xf32>,
        %mul3A_84 = arith.constant 20 : i32
        %mul3A_85 = arith.muli %scan3A_39, %mul3A_84 : i32
        %add3A_86 = arith.constant 0 : i32
        %add3A_87 = arith.addi %mul3A_85, %add3A_86 : i32
        %get3A_88 = arith.index_cast %add3A_87 : i32 to index
        %get3A_89 = arith.constant 48 : index
        %get3A_90 = tpu.vector_load %arg7[%get3A_88, %get3A_89] {strides = array<i32>} : memref<640x64xf32, #tpu.memory_space<vmem>>, vector<16xf32>,
        %mul3A_91 = arith.constant 8.000000e+00 : f32
        %mul3A_92 = vector.broadcast %mul3A_91 : f32 to vector<16xf32>
        %mul3A_93 = arith.mulf %get3A_90, %mul3A_92 : vector<16xf32>
        %swap3A_94 = arith.constant 0 : i32
        %swap3A_95 = arith.index_cast %scan3A_39 : i32 to index
        %swap3A_96 = arith.index_cast %swap3A_94 : i32 to index
        %swap3A_97 = arith.constant 48 : index
        %swap3A_98 = tpu.vector_load %arg8[%swap3A_95, %swap3A_96, %swap3A_97] {strides = array<i32>} : memref<32x20x64xf32, #tpu.memory_space<vmem>>, vector<16xf32>,
        tpu.vector_store %arg8[%swap3A_95, %swap3A_96, %swap3A_97], %mul3A_93 {strides = array<i32>} : memref<32x20x64xf32, #tpu.memory_space<vmem>>, vector<16xf32>,
        %mul3A_99 = arith.constant 20 : i32
        %mul3A_100 = arith.muli %scan3A_39, %mul3A_99 : i32
        %add3A_101 = arith.constant 1 : i32
        %add3A_102 = arith.addi %mul3A_100, %add3A_101 : i32
        %get3A_103 = arith.index_cast %add3A_102 : i32 to index
        %get3A_104 = arith.constant 0 : index
        %get3A_105 = tpu.vector_load %arg7[%get3A_103, %get3A_104] {strides = array<i32>} : memref<640x64xf32, #tpu.memory_space<vmem>>, vector<16xf32>,
        %mul3A_106 = arith.constant 8.000000e+00 : f32
        %mul3A_107 = vector.broadcast %mul3A_106 : f32 to vector<16xf32>
        %mul3A_108 = arith.mulf %get3A_105, %mul3A_107 : vector<16xf32>
        %swap3A_109 = arith.constant 1 : i32
        %swap3A_110 = arith.index_cast %scan3A_39 : i32 to index
        %swap3A_111 = arith.index_cast %swap3A_109 : i32 to index
        %swap3A_112 = arith.constant 0 : index
        %swap3A_113 = tpu.vector_load %arg8[%swap3A_110, %swap3A_111, %swap3A_112] {strides = array<i32>} : memref<32x20x64xf32, #tpu.memory_space<vmem>>, vector<16xf32>,
        tpu.vector_store %arg8[%swap3A_110, %swap3A_111, %swap3A_112], %mul3A_108 {strides = array<i32>} : memref<32x20x64xf32, #tpu.memory_space<vmem>>, vector<16xf32>,
        %mul3A_114 = arith.constant 20 : i32
        %mul3A_115 = arith.muli %scan3A_39, %mul3A_114 : i32
        %add3A_116 = arith.constant 1 : i32
        %add3A_117 = arith.addi %mul3A_115, %add3A_116 : i32
        %get3A_118 = arith.index_cast %add3A_117 : i32 to index
        %get3A_119 = arith.constant 16 : index
        %get3A_120 = tpu.vector_load %arg7[%get3A_118, %get3A_119] {strides = array<i32>} : memref<640x64xf32, #tpu.memory_space<vmem>>, vector<16xf32>,
        %mul3A_121 = arith.constant 8.000000e+00 : f32
        %mul3A_122 = vector.broadcast %mul3A_121 : f32 to vector<16xf32>
        %mul3A_123 = arith.mulf %get3A_120, %mul3A_122 : vector<16xf32>
        %swap3A_124 = arith.constant 1 : i32
        %swap3A_125 = arith.index_cast %scan3A_39 : i32 to index
        %swap3A_126 = arith.index_cast %swap3A_124 : i32 to index
        %swap3A_127 = arith.constant 16 : index
        %swap3A_128 = tpu.vector_load %arg8[%swap3A_125, %swap3A_126, %swap3A_127] {strides = array<i32>} : memref<32x20x64xf32, #tpu.memory_space<vmem>>, vector<16xf32>,
        tpu.vector_store %arg8[%swap3A_125, %swap3A_126, %swap3A_127], %mul3A_123 {strides = array<i32>} : memref<32x20x64xf32, #tpu.memory_space<vmem>>, vector<16xf32>,
        %mul3A_129 = arith.constant 20 : i32
        %mul3A_130 = arith.muli %scan3A_39, %mul3A_129 : i32
        %add3A_131 = arith.constant 1 : i32
        %add3A_132 = arith.addi %mul3A_130, %add3A_131 : i32
        %get3A_133 = arith.index_cast %add3A_132 : i32 to index
        %get3A_134 = arith.constant 32 : index
        %get3A_135 = tpu.vector_load %arg7[%get3A_133, %get3A_134] {strides = array<i32>} : memref<640x64xf32, #tpu.memory_space<vmem>>, vector<16xf32>,
        %mul3A_136 = arith.constant 8.000000e+00 : f32
        %mul3A_137 = vector.broadcast %mul3A_136 : f32 to vector<16xf32>
        %mul3A_138 = arith.mulf %get3A_135, %mul3A_137 : vector<16xf32>
        %swap3A_139 = arith.constant 1 : i32
        %swap3A_140 = arith.index_cast %scan3A_39 : i32 to index
        %swap3A_141 = arith.index_cast %swap3A_139 : i32 to index
        %swap3A_142 = arith.constant 32 : index
        %swap3A_143 = tpu.vector_load %arg8[%swap3A_140, %swap3A_141, %swap3A_142] {strides = array<i32>} : memref<32x20x64xf32, #tpu.memory_space<vmem>>, vector<16xf32>,
        tpu.vector_store %arg8[%swap3A_140, %swap3A_141, %swap3A_142], %mul3A_138 {strides = array<i32>} : memref<32x20x64xf32, #tpu.memory_space<vmem>>, vector<16xf32>,
        %mul3A_144 = arith.constant 20 : i32
        %mul3A_145 = arith.muli %scan3A_39, %mul3A_144 : i32
        %add3A_146 = arith.constant 1 : i32
        %add3A_147 = arith.addi %mul3A_145, %add3A_146 : i32
        %get3A_148 = arith.index_cast %add3A_147 : i32 to index
        %get3A_149 = arith.constant 48 : index
        %get3A_150 = tpu.vector_load %arg7[%get3A_148, %get3A_149] {strides = array<i32>} : memref<640x64xf32, #tpu.memory_space<vmem>>, vector<16xf32>,
        %mul3A_151 = arith.constant 8.000000e+00 : f32
        %mul3A_152 = vector.broadcast %mul3A_151 : f32 to vector<16xf32>
        %mul3A_153 = arith.mulf %get3A_150, %mul3A_152 : vector<16xf32>
        %swap3A_154 = arith.constant 1 : i32
        %swap3A_155 = arith.index_cast %scan3A_39 : i32 to index
        %swap3A_156 = arith.index_cast %swap3A_154 : i32 to index
        %swap3A_157 = arith.constant 48 : index
        %swap3A_158 = tpu.vector_load %arg8[%swap3A_155, %swap3A_156, %swap3A_157] {strides = array<i32>} : memref<32x20x64xf32, #tpu.memory_space<vmem>>, vector<16xf32>,
        tpu.vector_store %arg8[%swap3A_155, %swap3A_156, %swap3A_157], %mul3A_153 {strides = array<i32>} : memref<32x20x64xf32, #tpu.memory_space<vmem>>, vector<16xf32>,
        %mul3A_159 = arith.constant 20 : i32
        %mul3A_160 = arith.muli %scan3A_39, %mul3A_159 : i32
        %add3A_161 = arith.constant 2 : i32
        %add3A_162 = arith.addi %mul3A_160, %add3A_161 : i32
        %get3A_163 = arith.index_cast %add3A_162 : i32 to index
        %get3A_164 = arith.constant 0 : index
        %get3A_165 = tpu.vector_load %arg7[%get3A_163, %get3A_164] {strides = array<i32>} : memref<640x64xf32, #tpu.memory_space<vmem>>, vector<16xf32>,
        %mul3A_166 = arith.constant 8.000000e+00 : f32
        %mul3A_167 = vector.broadcast %mul3A_166 : f32 to vector<16xf32>
        %mul3A_168 = arith.mulf %get3A_165, %mul3A_167 : vector<16xf32>
        %swap3A_169 = arith.constant 2 : i32
        %swap3A_170 = arith.index_cast %scan3A_39 : i32 to index
        %swap3A_171 = arith.index_cast %swap3A_169 : i32 to index
        %swap3A_172 = arith.constant 0 : index
        %swap3A_173 = tpu.vector_load %arg8[%swap3A_170, %swap3A_171, %swap3A_172] {strides = array<i32>} : memref<32x20x64xf32, #tpu.memory_space<vmem>>, vector<16xf32>,
        tpu.vector_store %arg8[%swap3A_170, %swap3A_171, %swap3A_172], %mul3A_168 {strides = array<i32>} : memref<32x20x64xf32, #tpu.memory_space<vmem>>, vector<16xf32>,
        %mul3A_174 = arith.constant 20 : i32
        %mul3A_175 = arith.muli %scan3A_39, %mul3A_174 : i32
        %add3A_176 = arith.constant 2 : i32
        %add3A_177 = arith.addi %mul3A_175, %add3A_176 : i32
        %get3A_178 = arith.index_cast %add3A_177 : i32 to index
        %get3A_179 = arith.constant 16 : index
        %get3A_180 = tpu.vector_load %arg7[%get3A_178, %get3A_179] {strides = array<i32>} : memref<640x64xf32, #tpu.memory_space<vmem>>, vector<16xf32>,
        %mul3A_181 = arith.constant 8.000000e+00 : f32
        %mul3A_182 = vector.broadcast %mul3A_181 : f32 to vector<16xf32>
        %mul3A_183 = arith.mulf %get3A_180, %mul3A_182 : vector<16xf32>
        %swap3A_184 = arith.constant 2 : i32
        %swap3A_185 = arith.index_cast %scan3A_39 : i32 to index
        %swap3A_186 = arith.index_cast %swap3A_184 : i32 to index
        %swap3A_187 = arith.constant 16 : index
        %swap3A_188 = tpu.vector_load %arg8[%swap3A_185, %swap3A_186, %swap3A_187] {strides = array<i32>} : memref<32x20x64xf32, #tpu.memory_space<vmem>>, vector<16xf32>,
        tpu.vector_store %arg8[%swap3A_185, %swap3A_186, %swap3A_187], %mul3A_183 {strides = array<i32>} : memref<32x20x64xf32, #tpu.memory_space<vmem>>, vector<16xf32>,
        %mul3A_189 = arith.constant 20 : i32
        %mul3A_190 = arith.muli %scan3A_39, %mul3A_189 : i32
        %add3A_191 = arith.constant 2 : i32
        %add3A_192 = arith.addi %mul3A_190, %add3A_191 : i32
        %get3A_193 = arith.index_cast %add3A_192 : i32 to index
        %get3A_194 = arith.constant 32 : index
        %get3A_195 = tpu.vector_load %arg7[%get3A_193, %get3A_194] {strides = array<i32>} : memref<640x64xf32, #tpu.memory_space<vmem>>, vector<16xf32>,
        %mul3A_196 = arith.constant 8.000000e+00 : f32
        %mul3A_197 = vector.broadcast %mul3A_196 : f32 to vector<16xf32>
        %mul3A_198 = arith.mulf %get3A_195, %mul3A_197 : vector<16xf32>
        %swap3A_199 = arith.constant 2 : i32
        %swap3A_200 = arith.index_cast %scan3A_39 : i32 to index
        %swap3A_201 = arith.index_cast %swap3A_199 : i32 to index
        %swap3A_202 = arith.constant 32 : index
        %swap3A_203 = tpu.vector_load %arg8[%swap3A_200, %swap3A_201, %swap3A_202] {strides = array<i32>} : memref<32x20x64xf32, #tpu.memory_space<vmem>>, vector<16xf32>,
        tpu.vector_store %arg8[%swap3A_200, %swap3A_201, %swap3A_202], %mul3A_198 {strides = array<i32>} : memref<32x20x64xf32, #tpu.memory_space<vmem>>, vector<16xf32>,
        %mul3A_204 = arith.constant 20 : i32
        %mul3A_205 = arith.muli %scan3A_39, %mul3A_204 : i32
        %add3A_206 = arith.constant 2 : i32
        %add3A_207 = arith.addi %mul3A_205, %add3A_206 : i32
        %get3A_208 = arith.index_cast %add3A_207 : i32 to index
        %get3A_209 = arith.constant 48 : index
        %get3A_210 = tpu.vector_load %arg7[%get3A_208, %get3A_209] {strides = array<i32>} : memref<640x64xf32, #tpu.memory_space<vmem>>, vector<16xf32>,
        %mul3A_211 = arith.constant 8.000000e+00 : f32
        %mul3A_212 = vector.broadcast %mul3A_211 : f32 to vector<16xf32>
        %mul3A_213 = arith.mulf %get3A_210, %mul3A_212 : vector<16xf32>
        %swap3A_214 = arith.constant 2 : i32
        %swap3A_215 = arith.index_cast %scan3A_39 : i32 to index
        %swap3A_216 = arith.index_cast %swap3A_214 : i32 to index
        %swap3A_217 = arith.constant 48 : index
        %swap3A_218 = tpu.vector_load %arg8[%swap3A_215, %swap3A_216, %swap3A_217] {strides = array<i32>} : memref<32x20x64xf32, #tpu.memory_space<vmem>>, vector<16xf32>,
        tpu.vector_store %arg8[%swap3A_215, %swap3A_216, %swap3A_217], %mul3A_213 {strides = array<i32>} : memref<32x20x64xf32, #tpu.memory_space<vmem>>, vector<16xf32>,
        %mul3A_219 = arith.constant 20 : i32
        %mul3A_220 = arith.muli %scan3A_39, %mul3A_219 : i32
        %add3A_221 = arith.constant 3 : i32
        %add3A_222 = arith.addi %mul3A_220, %add3A_221 : i32
        %get3A_223 = arith.index_cast %add3A_222 : i32 to index
        %get3A_224 = arith.constant 0 : index
        %get3A_225 = tpu.vector_load %arg7[%get3A_223, %get3A_224] {strides = array<i32>} : memref<640x64xf32, #tpu.memory_space<vmem>>, vector<16xf32>,
        %mul3A_226 = arith.constant 8.000000e+00 : f32
        %mul3A_227 = vector.broadcast %mul3A_226 : f32 to vector<16xf32>
        %mul3A_228 = arith.mulf %get3A_225, %mul3A_227 : vector<16xf32>
        %swap3A_229 = arith.constant 3 : i32
        %swap3A_230 = arith.index_cast %scan3A_39 : i32 to index
        %swap3A_231 = arith.index_cast %swap3A_229 : i32 to index
        %swap3A_232 = arith.constant 0 : index
        %swap3A_233 = tpu.vector_load %arg8[%swap3A_230, %swap3A_231, %swap3A_232] {strides = array<i32>} : memref<32x20x64xf32, #tpu.memory_space<vmem>>, vector<16xf32>,
        tpu.vector_store %arg8[%swap3A_230, %swap3A_231, %swap3A_232], %mul3A_228 {strides = array<i32>} : memref<32x20x64xf32, #tpu.memory_space<vmem>>, vector<16xf32>,
        %mul3A_234 = arith.constant 20 : i32
        %mul3A_235 = arith.muli %scan3A_39, %mul3A_234 : i32
        %add3A_236 = arith.constant 3 : i32
        %add3A_237 = arith.addi %mul3A_235, %add3A_236 : i32
        %get3A_238 = arith.index_cast %add3A_237 : i32 to index
        %get3A_239 = arith.constant 16 : index
        %get3A_240 = tpu.vector_load %arg7[%get3A_238, %get3A_239] {strides = array<i32>} : memref<640x64xf32, #tpu.memory_space<vmem>>, vector<16xf32>,
        %mul3A_241 = arith.constant 8.000000e+00 : f32
        %mul3A_242 = vector.broadcast %mul3A_241 : f32 to vector<16xf32>
        %mul3A_243 = arith.mulf %get3A_240, %mul3A_242 : vector<16xf32>
        %swap3A_244 = arith.constant 3 : i32
        %swap3A_245 = arith.index_cast %scan3A_39 : i32 to index
        %swap3A_246 = arith.index_cast %swap3A_244 : i32 to index
        %swap3A_247 = arith.constant 16 : index
        %swap3A_248 = tpu.vector_load %arg8[%swap3A_245, %swap3A_246, %swap3A_247] {strides = array<i32>} : memref<32x20x64xf32, #tpu.memory_space<vmem>>, vector<16xf32>,
        tpu.vector_store %arg8[%swap3A_245, %swap3A_246, %swap3A_247], %mul3A_243 {strides = array<i32>} : memref<32x20x64xf32, #tpu.memory_space<vmem>>, vector<16xf32>,
        %mul3A_249 = arith.constant 20 : i32
        %mul3A_250 = arith.muli %scan3A_39, %mul3A_249 : i32
        %add3A_251 = arith.constant 3 : i32
        %add3A_252 = arith.addi %mul3A_250, %add3A_251 : i32
        %get3A_253 = arith.index_cast %add3A_252 : i32 to index
        %get3A_254 = arith.constant 32 : index
        %get3A_255 = tpu.vector_load %arg7[%get3A_253, %get3A_254] {strides = array<i32>} : memref<640x64xf32, #tpu.memory_space<vmem>>, vector<16xf32>,
        %mul3A_256 = arith.constant 8.000000e+00 : f32
        %mul3A_257 = vector.broadcast %mul3A_256 : f32 to vector<16xf32>
        %mul3A_258 = arith.mulf %get3A_255, %mul3A_257 : vector<16xf32>
        %swap3A_259 = arith.constant 3 : i32
        %swap3A_260 = arith.index_cast %scan3A_39 : i32 to index
        %swap3A_261 = arith.index_cast %swap3A_259 : i32 to index
        %swap3A_262 = arith.constant 32 : index
        %swap3A_263 = tpu.vector_load %arg8[%swap3A_260, %swap3A_261, %swap3A_262] {strides = array<i32>} : memref<32x20x64xf32, #tpu.memory_space<vmem>>, vector<16xf32>,
        tpu.vector_store %arg8[%swap3A_260, %swap3A_261, %swap3A_262], %mul3A_258 {strides = array<i32>} : memref<32x20x64xf32, #tpu.memory_space<vmem>>, vector<16xf32>,
        %mul3A_264 = arith.constant 20 : i32
        %mul3A_265 = arith.muli %scan3A_39, %mul3A_264 : i32
        %add3A_266 = arith.constant 3 : i32
        %add3A_267 = arith.addi %mul3A_265, %add3A_266 : i32
        %get3A_268 = arith.index_cast %add3A_267 : i32 to index
        %get3A_269 = arith.constant 48 : index
        %get3A_270 = tpu.vector_load %arg7[%get3A_268, %get3A_269] {strides = array<i32>} : memref<640x64xf32, #tpu.memory_space<vmem>>, vector<16xf32>,
        %mul3A_271 = arith.constant 8.000000e+00 : f32
        %mul3A_272 = vector.broadcast %mul3A_271 : f32 to vector<16xf32>
        %mul3A_273 = arith.mulf %get3A_270, %mul3A_272 : vector<16xf32>
        %swap3A_274 = arith.constant 3 : i32
        %swap3A_275 = arith.index_cast %scan3A_39 : i32 to index
        %swap3A_276 = arith.index_cast %swap3A_274 : i32 to index
        %swap3A_277 = arith.constant 48 : index
        %swap3A_278 = tpu.vector_load %arg8[%swap3A_275, %swap3A_276, %swap3A_277] {strides = array<i32>} : memref<32x20x64xf32, #tpu.memory_space<vmem>>, vector<16xf32>,
        tpu.vector_store %arg8[%swap3A_275, %swap3A_276, %swap3A_277], %mul3A_273 {strides = array<i32>} : memref<32x20x64xf32, #tpu.memory_space<vmem>>, vector<16xf32>,
        %mul3A_279 = arith.constant 20 : i32
        %mul3A_280 = arith.muli %scan3A_39, %mul3A_279 : i32
        %add3A_281 = arith.constant 4 : i32
        %add3A_282 = arith.addi %mul3A_280, %add3A_281 : i32
        %get3A_283 = arith.index_cast %add3A_282 : i32 to index
        %get3A_284 = arith.constant 0 : index
        %get3A_285 = tpu.vector_load %arg7[%get3A_283, %get3A_284] {strides = array<i32>} : memref<640x64xf32, #tpu.memory_space<vmem>>, vector<16xf32>,
        %mul3A_286 = arith.constant 8.000000e+00 : f32
        %mul3A_287 = vector.broadcast %mul3A_286 : f32 to vector<16xf32>
        %mul3A_288 = arith.mulf %get3A_285, %mul3A_287 : vector<16xf32>
        %swap3A_289 = arith.constant 4 : i32
        %swap3A_290 = arith.index_cast %scan3A_39 : i32 to index
        %swap3A_291 = arith.index_cast %swap3A_289 : i32 to index
        %swap3A_292 = arith.constant 0 : index
        %swap3A_293 = tpu.vector_load %arg8[%swap3A_290, %swap3A_291, %swap3A_292] {strides = array<i32>} : memref<32x20x64xf32, #tpu.memory_space<vmem>>, vector<16xf32>,
        tpu.vector_store %arg8[%swap3A_290, %swap3A_291, %swap3A_292], %mul3A_288 {strides = array<i32>} : memref<32x20x64xf32, #tpu.memory_space<vmem>>, vector<16xf32>,
        %mul3A_294 = arith.constant 20 : i32
        %mul3A_295 = arith.muli %scan3A_39, %mul3A_294 : i32
        %add3A_296 = arith.constant 4 : i32
        %add3A_297 = arith.addi %mul3A_295, %add3A_296 : i32
        %get3A_298 = arith.index_cast %add3A_297 : i32 to index
        %get3A_299 = arith.constant 16 : index
        %get3A_300 = tpu.vector_load %arg7[%get3A_298, %get3A_299] {strides = array<i32>} : memref<640x64xf32, #tpu.memory_space<vmem>>, vector<16xf32>,
        %mul3A_301 = arith.constant 8.000000e+00 : f32
        %mul3A_302 = vector.broadcast %mul3A_301 : f32 to vector<16xf32>
        %mul3A_303 = arith.mulf %get3A_300, %mul3A_302 : vector<16xf32>
        %swap3A_304 = arith.constant 4 : i32
        %swap3A_305 = arith.index_cast %scan3A_39 : i32 to index
        %swap3A_306 = arith.index_cast %swap3A_304 : i32 to index
        %swap3A_307 = arith.constant 16 : index
        %swap3A_308 = tpu.vector_load %arg8[%swap3A_305, %swap3A_306, %swap3A_307] {strides = array<i32>} : memref<32x20x64xf32, #tpu.memory_space<vmem>>, vector<16xf32>,
        tpu.vector_store %arg8[%swap3A_305, %swap3A_306, %swap3A_307], %mul3A_303 {strides = array<i32>} : memref<32x20x64xf32, #tpu.memory_space<vmem>>, vector<16xf32>,
        %mul3A_309 = arith.constant 20 : i32
        %mul3A_310 = arith.muli %scan3A_39, %mul3A_309 : i32
        %add3A_311 = arith.constant 4 : i32
        %add3A_312 = arith.addi %mul3A_310, %add3A_311 : i32
        %get3A_313 = arith.index_cast %add3A_312 : i32 to index
        %get3A_314 = arith.constant 32 : index
        %get3A_315 = tpu.vector_load %arg7[%get3A_313, %get3A_314] {strides = array<i32>} : memref<640x64xf32, #tpu.memory_space<vmem>>, vector<16xf32>,
        %mul3A_316 = arith.constant 8.000000e+00 : f32
        %mul3A_317 = vector.broadcast %mul3A_316 : f32 to vector<16xf32>
        %mul3A_318 = arith.mulf %get3A_315, %mul3A_317 : vector<16xf32>
        %swap3A_319 = arith.constant 4 : i32
        %swap3A_320 = arith.index_cast %scan3A_39 : i32 to index
        %swap3A_321 = arith.index_cast %swap3A_319 : i32 to index
        %swap3A_322 = arith.constant 32 : index
        %swap3A_323 = tpu.vector_load %arg8[%swap3A_320, %swap3A_321, %swap3A_322] {strides = array<i32>} : memref<32x20x64xf32, #tpu.memory_space<vmem>>, vector<16xf32>,
        tpu.vector_store %arg8[%swap3A_320, %swap3A_321, %swap3A_322], %mul3A_318 {strides = array<i32>} : memref<32x20x64xf32, #tpu.memory_space<vmem>>, vector<16xf32>,
        %mul3A_324 = arith.constant 20 : i32
        %mul3A_325 = arith.muli %scan3A_39, %mul3A_324 : i32
        %add3A_326 = arith.constant 4 : i32
        %add3A_327 = arith.addi %mul3A_325, %add3A_326 : i32
        %get3A_328 = arith.index_cast %add3A_327 : i32 to index
        %get3A_329 = arith.constant 48 : index
        %get3A_330 = tpu.vector_load %arg7[%get3A_328, %get3A_329] {strides = array<i32>} : memref<640x64xf32, #tpu.memory_space<vmem>>, vector<16xf32>,
        %mul3A_331 = arith.constant 8.000000e+00 : f32
        %mul3A_332 = vector.broadcast %mul3A_331 : f32 to vector<16xf32>
        %mul3A_333 = arith.mulf %get3A_330, %mul3A_332 : vector<16xf32>
        %swap3A_334 = arith.constant 4 : i32
        %swap3A_335 = arith.index_cast %scan3A_39 : i32 to index
        %swap3A_336 = arith.index_cast %swap3A_334 : i32 to index
        %swap3A_337 = arith.constant 48 : index
        %swap3A_338 = tpu.vector_load %arg8[%swap3A_335, %swap3A_336, %swap3A_337] {strides = array<i32>} : memref<32x20x64xf32, #tpu.memory_space<vmem>>, vector<16xf32>,
        tpu.vector_store %arg8[%swap3A_335, %swap3A_336, %swap3A_337], %mul3A_333 {strides = array<i32>} : memref<32x20x64xf32, #tpu.memory_space<vmem>>, vector<16xf32>,
        %mul3A_339 = arith.constant 20 : i32
        %mul3A_340 = arith.muli %scan3A_39, %mul3A_339 : i32
        %add3A_341 = arith.constant 5 : i32
        %add3A_342 = arith.addi %mul3A_340, %add3A_341 : i32
        %get3A_343 = arith.index_cast %add3A_342 : i32 to index
        %get3A_344 = arith.constant 0 : index
        %get3A_345 = tpu.vector_load %arg7[%get3A_343, %get3A_344] {strides = array<i32>} : memref<640x64xf32, #tpu.memory_space<vmem>>, vector<16xf32>,
        %mul3A_346 = arith.constant 8.000000e+00 : f32
        %mul3A_347 = vector.broadcast %mul3A_346 : f32 to vector<16xf32>
        %mul3A_348 = arith.mulf %get3A_345, %mul3A_347 : vector<16xf32>
        %swap3A_349 = arith.constant 5 : i32
        %swap3A_350 = arith.index_cast %scan3A_39 : i32 to index
        %swap3A_351 = arith.index_cast %swap3A_349 : i32 to index
        %swap3A_352 = arith.constant 0 : index
        %swap3A_353 = tpu.vector_load %arg8[%swap3A_350, %swap3A_351, %swap3A_352] {strides = array<i32>} : memref<32x20x64xf32, #tpu.memory_space<vmem>>, vector<16xf32>,
        tpu.vector_store %arg8[%swap3A_350, %swap3A_351, %swap3A_352], %mul3A_348 {strides = array<i32>} : memref<32x20x64xf32, #tpu.memory_space<vmem>>, vector<16xf32>,
        %mul3A_354 = arith.constant 20 : i32
        %mul3A_355 = arith.muli %scan3A_39, %mul3A_354 : i32
        %add3A_356 = arith.constant 5 : i32
        %add3A_357 = arith.addi %mul3A_355, %add3A_356 : i32
        %get3A_358 = arith.index_cast %add3A_357 : i32 to index
        %get3A_359 = arith.constant 16 : index
        %get3A_360 = tpu.vector_load %arg7[%get3A_358, %get3A_359] {strides = array<i32>} : memref<640x64xf32, #tpu.memory_space<vmem>>, vector<16xf32>,
        %mul3A_361 = arith.constant 8.000000e+00 : f32
        %mul3A_362 = vector.broadcast %mul3A_361 : f32 to vector<16xf32>
        %mul3A_363 = arith.mulf %get3A_360, %mul3A_362 : vector<16xf32>
        %swap3A_364 = arith.constant 5 : i32
        %swap3A_365 = arith.index_cast %scan3A_39 : i32 to index
        %swap3A_366 = arith.index_cast %swap3A_364 : i32 to index
        %swap3A_367 = arith.constant 16 : index
        %swap3A_368 = tpu.vector_load %arg8[%swap3A_365, %swap3A_366, %swap3A_367] {strides = array<i32>} : memref<32x20x64xf32, #tpu.memory_space<vmem>>, vector<16xf32>,
        tpu.vector_store %arg8[%swap3A_365, %swap3A_366, %swap3A_367], %mul3A_363 {strides = array<i32>} : memref<32x20x64xf32, #tpu.memory_space<vmem>>, vector<16xf32>,
        %mul3A_369 = arith.constant 20 : i32
        %mul3A_370 = arith.muli %scan3A_39, %mul3A_369 : i32
        %add3A_371 = arith.constant 5 : i32
        %add3A_372 = arith.addi %mul3A_370, %add3A_371 : i32
        %get3A_373 = arith.index_cast %add3A_372 : i32 to index
        %get3A_374 = arith.constant 32 : index
        %get3A_375 = tpu.vector_load %arg7[%get3A_373, %get3A_374] {strides = array<i32>} : memref<640x64xf32, #tpu.memory_space<vmem>>, vector<16xf32>,
        %mul3A_376 = arith.constant 8.000000e+00 : f32
        %mul3A_377 = vector.broadcast %mul3A_376 : f32 to vector<16xf32>
        %mul3A_378 = arith.mulf %get3A_375, %mul3A_377 : vector<16xf32>
        %swap3A_379 = arith.constant 5 : i32
        %swap3A_380 = arith.index_cast %scan3A_39 : i32 to index
        %swap3A_381 = arith.index_cast %swap3A_379 : i32 to index
        %swap3A_382 = arith.constant 32 : index
        %swap3A_383 = tpu.vector_load %arg8[%swap3A_380, %swap3A_381, %swap3A_382] {strides = array<i32>} : memref<32x20x64xf32, #tpu.memory_space<vmem>>, vector<16xf32>,
        tpu.vector_store %arg8[%swap3A_380, %swap3A_381, %swap3A_382], %mul3A_378 {strides = array<i32>} : memref<32x20x64xf32, #tpu.memory_space<vmem>>, vector<16xf32>,
        %mul3A_384 = arith.constant 20 : i32
        %mul3A_385 = arith.muli %scan3A_39, %mul3A_384 : i32
        %add3A_386 = arith.constant 5 : i32
        %add3A_387 = arith.addi %mul3A_385, %add3A_386 : i32
        %get3A_388 = arith.index_cast %add3A_387 : i32 to index
        %get3A_389 = arith.constant 48 : index
        %get3A_390 = tpu.vector_load %arg7[%get3A_388, %get3A_389] {strides = array<i32>} : memref<640x64xf32, #tpu.memory_space<vmem>>, vector<16xf32>,
        %mul3A_391 = arith.constant 8.000000e+00 : f32
        %mul3A_392 = vector.broadcast %mul3A_391 : f32 to vector<16xf32>
        %mul3A_393 = arith.mulf %get3A_390, %mul3A_392 : vector<16xf32>
        %swap3A_394 = arith.constant 5 : i32
        %swap3A_395 = arith.index_cast %scan3A_39 : i32 to index
        %swap3A_396 = arith.index_cast %swap3A_394 : i32 to index
        %swap3A_397 = arith.constant 48 : index
        %swap3A_398 = tpu.vector_load %arg8[%swap3A_395, %swap3A_396, %swap3A_397] {strides = array<i32>} : memref<32x20x64xf32, #tpu.memory_space<vmem>>, vector<16xf32>,
        tpu.vector_store %arg8[%swap3A_395, %swap3A_396, %swap3A_397], %mul3A_393 {strides = array<i32>} : memref<32x20x64xf32, #tpu.memory_space<vmem>>, vector<16xf32>,
        %mul3A_399 = arith.constant 20 : i32
        %mul3A_400 = arith.muli %scan3A_39, %mul3A_399 : i32
        %add3A_401 = arith.constant 6 : i32
        %add3A_402 = arith.addi %mul3A_400, %add3A_401 : i32
        %get3A_403 = arith.index_cast %add3A_402 : i32 to index
        %get3A_404 = arith.constant 0 : index
        %get3A_405 = tpu.vector_load %arg7[%get3A_403, %get3A_404] {strides = array<i32>} : memref<640x64xf32, #tpu.memory_space<vmem>>, vector<16xf32>,
        %mul3A_406 = arith.constant 8.000000e+00 : f32
        %mul3A_407 = vector.broadcast %mul3A_406 : f32 to vector<16xf32>
        %mul3A_408 = arith.mulf %get3A_405, %mul3A_407 : vector<16xf32>
        %swap3A_409 = arith.constant 6 : i32
        %swap3A_410 = arith.index_cast %scan3A_39 : i32 to index
        %swap3A_411 = arith.index_cast %swap3A_409 : i32 to index
        %swap3A_412 = arith.constant 0 : index
        %swap3A_413 = tpu.vector_load %arg8[%swap3A_410, %swap3A_411, %swap3A_412] {strides = array<i32>} : memref<32x20x64xf32, #tpu.memory_space<vmem>>, vector<16xf32>,
        tpu.vector_store %arg8[%swap3A_410, %swap3A_411, %swap3A_412], %mul3A_408 {strides = array<i32>} : memref<32x20x64xf32, #tpu.memory_space<vmem>>, vector<16xf32>,
        %mul3A_414 = arith.constant 20 : i32
        %mul3A_415 = arith.muli %scan3A_39, %mul3A_414 : i32
        %add3A_416 = arith.constant 6 : i32
        %add3A_417 = arith.addi %mul3A_415, %add3A_416 : i32
        %get3A_418 = arith.index_cast %add3A_417 : i32 to index
        %get3A_419 = arith.constant 16 : index
        %get3A_420 = tpu.vector_load %arg7[%get3A_418, %get3A_419] {strides = array<i32>} : memref<640x64xf32, #tpu.memory_space<vmem>>, vector<16xf32>,
        %mul3A_421 = arith.constant 8.000000e+00 : f32
        %mul3A_422 = vector.broadcast %mul3A_421 : f32 to vector<16xf32>
        %mul3A_423 = arith.mulf %get3A_420, %mul3A_422 : vector<16xf32>
        %swap3A_424 = arith.constant 6 : i32
        %swap3A_425 = arith.index_cast %scan3A_39 : i32 to index
        %swap3A_426 = arith.index_cast %swap3A_424 : i32 to index
        %swap3A_427 = arith.constant 16 : index
        %swap3A_428 = tpu.vector_load %arg8[%swap3A_425, %swap3A_426, %swap3A_427] {strides = array<i32>} : memref<32x20x64xf32, #tpu.memory_space<vmem>>, vector<16xf32>,
        tpu.vector_store %arg8[%swap3A_425, %swap3A_426, %swap3A_427], %mul3A_423 {strides = array<i32>} : memref<32x20x64xf32, #tpu.memory_space<vmem>>, vector<16xf32>,
        %mul3A_429 = arith.constant 20 : i32
        %mul3A_430 = arith.muli %scan3A_39, %mul3A_429 : i32
        %add3A_431 = arith.constant 6 : i32
        %add3A_432 = arith.addi %mul3A_430, %add3A_431 : i32
        %get3A_433 = arith.index_cast %add3A_432 : i32 to index
        %get3A_434 = arith.constant 32 : index
        %get3A_435 = tpu.vector_load %arg7[%get3A_433, %get3A_434] {strides = array<i32>} : memref<640x64xf32, #tpu.memory_space<vmem>>, vector<16xf32>,
        %mul3A_436 = arith.constant 8.000000e+00 : f32
        %mul3A_437 = vector.broadcast %mul3A_436 : f32 to vector<16xf32>
        %mul3A_438 = arith.mulf %get3A_435, %mul3A_437 : vector<16xf32>
        %swap3A_439 = arith.constant 6 : i32
        %swap3A_440 = arith.index_cast %scan3A_39 : i32 to index
        %swap3A_441 = arith.index_cast %swap3A_439 : i32 to index
        %swap3A_442 = arith.constant 32 : index
        %swap3A_443 = tpu.vector_load %arg8[%swap3A_440, %swap3A_441, %swap3A_442] {strides = array<i32>} : memref<32x20x64xf32, #tpu.memory_space<vmem>>, vector<16xf32>,
        tpu.vector_store %arg8[%swap3A_440, %swap3A_441, %swap3A_442], %mul3A_438 {strides = array<i32>} : memref<32x20x64xf32, #tpu.memory_space<vmem>>, vector<16xf32>,
        %mul3A_444 = arith.constant 20 : i32
        %mul3A_445 = arith.muli %scan3A_39, %mul3A_444 : i32
        %add3A_446 = arith.constant 6 : i32
        %add3A_447 = arith.addi %mul3A_445, %add3A_446 : i32
        %get3A_448 = arith.index_cast %add3A_447 : i32 to index
        %get3A_449 = arith.constant 48 : index
        %get3A_450 = tpu.vector_load %arg7[%get3A_448, %get3A_449] {strides = array<i32>} : memref<640x64xf32, #tpu.memory_space<vmem>>, vector<16xf32>,
        %mul3A_451 = arith.constant 8.000000e+00 : f32
        %mul3A_452 = vector.broadcast %mul3A_451 : f32 to vector<16xf32>
        %mul3A_453 = arith.mulf %get3A_450, %mul3A_452 : vector<16xf32>
        %swap3A_454 = arith.constant 6 : i32
        %swap3A_455 = arith.index_cast %scan3A_39 : i32 to index
        %swap3A_456 = arith.index_cast %swap3A_454 : i32 to index
        %swap3A_457 = arith.constant 48 : index
        %swap3A_458 = tpu.vector_load %arg8[%swap3A_455, %swap3A_456, %swap3A_457] {strides = array<i32>} : memref<32x20x64xf32, #tpu.memory_space<vmem>>, vector<16xf32>,
        tpu.vector_store %arg8[%swap3A_455, %swap3A_456, %swap3A_457], %mul3A_453 {strides = array<i32>} : memref<32x20x64xf32, #tpu.memory_space<vmem>>, vector<16xf32>,
        %mul3A_459 = arith.constant 20 : i32
        %mul3A_460 = arith.muli %scan3A_39, %mul3A_459 : i32
        %add3A_461 = arith.constant 7 : i32
        %add3A_462 = arith.addi %mul3A_460, %add3A_461 : i32
        %get3A_463 = arith.index_cast %add3A_462 : i32 to index
        %get3A_464 = arith.constant 0 : index
        %get3A_465 = tpu.vector_load %arg7[%get3A_463, %get3A_464] {strides = array<i32>} : memref<640x64xf32, #tpu.memory_space<vmem>>, vector<16xf32>,
        %mul3A_466 = arith.constant 8.000000e+00 : f32
        %mul3A_467 = vector.broadcast %mul3A_466 : f32 to vector<16xf32>
        %mul3A_468 = arith.mulf %get3A_465, %mul3A_467 : vector<16xf32>
        %swap3A_469 = arith.constant 7 : i32
        %swap3A_470 = arith.index_cast %scan3A_39 : i32 to index
        %swap3A_471 = arith.index_cast %swap3A_469 : i32 to index
        %swap3A_472 = arith.constant 0 : index
        %swap3A_473 = tpu.vector_load %arg8[%swap3A_470, %swap3A_471, %swap3A_472] {strides = array<i32>} : memref<32x20x64xf32, #tpu.memory_space<vmem>>, vector<16xf32>,
        tpu.vector_store %arg8[%swap3A_470, %swap3A_471, %swap3A_472], %mul3A_468 {strides = array<i32>} : memref<32x20x64xf32, #tpu.memory_space<vmem>>, vector<16xf32>,
        %mul3A_474 = arith.constant 20 : i32
        %mul3A_475 = arith.muli %scan3A_39, %mul3A_474 : i32
        %add3A_476 = arith.constant 7 : i32
        %add3A_477 = arith.addi %mul3A_475, %add3A_476 : i32
        %get3A_478 = arith.index_cast %add3A_477 : i32 to index
        %get3A_479 = arith.constant 16 : index
        %get3A_480 = tpu.vector_load %arg7[%get3A_478, %get3A_479] {strides = array<i32>} : memref<640x64xf32, #tpu.memory_space<vmem>>, vector<16xf32>,
        %mul3A_481 = arith.constant 8.000000e+00 : f32
        %mul3A_482 = vector.broadcast %mul3A_481 : f32 to vector<16xf32>
        %mul3A_483 = arith.mulf %get3A_480, %mul3A_482 : vector<16xf32>
        %swap3A_484 = arith.constant 7 : i32
        %swap3A_485 = arith.index_cast %scan3A_39 : i32 to index
        %swap3A_486 = arith.index_cast %swap3A_484 : i32 to index
        %swap3A_487 = arith.constant 16 : index
        %swap3A_488 = tpu.vector_load %arg8[%swap3A_485, %swap3A_486, %swap3A_487] {strides = array<i32>} : memref<32x20x64xf32, #tpu.memory_space<vmem>>, vector<16xf32>,
        tpu.vector_store %arg8[%swap3A_485, %swap3A_486, %swap3A_487], %mul3A_483 {strides = array<i32>} : memref<32x20x64xf32, #tpu.memory_space<vmem>>, vector<16xf32>,
        %mul3A_489 = arith.constant 20 : i32
        %mul3A_490 = arith.muli %scan3A_39, %mul3A_489 : i32
        %add3A_491 = arith.constant 7 : i32
        %add3A_492 = arith.addi %mul3A_490, %add3A_491 : i32
        %get3A_493 = arith.index_cast %add3A_492 : i32 to index
        %get3A_494 = arith.constant 32 : index
        %get3A_495 = tpu.vector_load %arg7[%get3A_493, %get3A_494] {strides = array<i32>} : memref<640x64xf32, #tpu.memory_space<vmem>>, vector<16xf32>,
        %mul3A_496 = arith.constant 8.000000e+00 : f32
        %mul3A_497 = vector.broadcast %mul3A_496 : f32 to vector<16xf32>
        %mul3A_498 = arith.mulf %get3A_495, %mul3A_497 : vector<16xf32>
        %swap3A_499 = arith.constant 7 : i32
        %swap3A_500 = arith.index_cast %scan3A_39 : i32 to index
        %swap3A_501 = arith.index_cast %swap3A_499 : i32 to index
        %swap3A_502 = arith.constant 32 : index
        %swap3A_503 = tpu.vector_load %arg8[%swap3A_500, %swap3A_501, %swap3A_502] {strides = array<i32>} : memref<32x20x64xf32, #tpu.memory_space<vmem>>, vector<16xf32>,
        tpu.vector_store %arg8[%swap3A_500, %swap3A_501, %swap3A_502], %mul3A_498 {strides = array<i32>} : memref<32x20x64xf32, #tpu.memory_space<vmem>>, vector<16xf32>,
        %mul3A_504 = arith.constant 20 : i32
        %mul3A_505 = arith.muli %scan3A_39, %mul3A_504 : i32
        %add3A_506 = arith.constant 7 : i32
        %add3A_507 = arith.addi %mul3A_505, %add3A_506 : i32
        %get3A_508 = arith.index_cast %add3A_507 : i32 to index
        %get3A_509 = arith.constant 48 : index
        %get3A_510 = tpu.vector_load %arg7[%get3A_508, %get3A_509] {strides = array<i32>} : memref<640x64xf32, #tpu.memory_space<vmem>>, vector<16xf32>,
        %mul3A_511 = arith.constant 8.000000e+00 : f32
        %mul3A_512 = vector.broadcast %mul3A_511 : f32 to vector<16xf32>
        %mul3A_513 = arith.mulf %get3A_510, %mul3A_512 : vector<16xf32>
        %swap3A_514 = arith.constant 7 : i32
        %swap3A_515 = arith.index_cast %scan3A_39 : i32 to index
        %swap3A_516 = arith.index_cast %swap3A_514 : i32 to index
        %swap3A_517 = arith.constant 48 : index
        %swap3A_518 = tpu.vector_load %arg8[%swap3A_515, %swap3A_516, %swap3A_517] {strides = array<i32>} : memref<32x20x64xf32, #tpu.memory_space<vmem>>, vector<16xf32>,
        tpu.vector_store %arg8[%swap3A_515, %swap3A_516, %swap3A_517], %mul3A_513 {strides = array<i32>} : memref<32x20x64xf32, #tpu.memory_space<vmem>>, vector<16xf32>,
        %mul3A_519 = arith.constant 20 : i32
        %mul3A_520 = arith.muli %scan3A_39, %mul3A_519 : i32
        %add3A_521 = arith.constant 8 : i32
        %add3A_522 = arith.addi %mul3A_520, %add3A_521 : i32
        %get3A_523 = arith.index_cast %add3A_522 : i32 to index
        %get3A_524 = arith.constant 0 : index
        %get3A_525 = tpu.vector_load %arg7[%get3A_523, %get3A_524] {strides = array<i32>} : memref<640x64xf32, #tpu.memory_space<vmem>>, vector<16xf32>,
        %mul3A_526 = arith.constant 8.000000e+00 : f32
        %mul3A_527 = vector.broadcast %mul3A_526 : f32 to vector<16xf32>
        %mul3A_528 = arith.mulf %get3A_525, %mul3A_527 : vector<16xf32>
        %swap3A_529 = arith.constant 8 : i32
        %swap3A_530 = arith.index_cast %scan3A_39 : i32 to index
        %swap3A_531 = arith.index_cast %swap3A_529 : i32 to index
        %swap3A_532 = arith.constant 0 : index
        %swap3A_533 = tpu.vector_load %arg8[%swap3A_530, %swap3A_531, %swap3A_532] {strides = array<i32>} : memref<32x20x64xf32, #tpu.memory_space<vmem>>, vector<16xf32>,
        tpu.vector_store %arg8[%swap3A_530, %swap3A_531, %swap3A_532], %mul3A_528 {strides = array<i32>} : memref<32x20x64xf32, #tpu.memory_space<vmem>>, vector<16xf32>,
        %mul3A_534 = arith.constant 20 : i32
        %mul3A_535 = arith.muli %scan3A_39, %mul3A_534 : i32
        %add3A_536 = arith.constant 8 : i32
        %add3A_537 = arith.addi %mul3A_535, %add3A_536 : i32
        %get3A_538 = arith.index_cast %add3A_537 : i32 to index
        %get3A_539 = arith.constant 16 : index
        %get3A_540 = tpu.vector_load %arg7[%get3A_538, %get3A_539] {strides = array<i32>} : memref<640x64xf32, #tpu.memory_space<vmem>>, vector<16xf32>,
        %mul3A_541 = arith.constant 8.000000e+00 : f32
        %mul3A_542 = vector.broadcast %mul3A_541 : f32 to vector<16xf32>
        %mul3A_543 = arith.mulf %get3A_540, %mul3A_542 : vector<16xf32>
        %swap3A_544 = arith.constant 8 : i32
        %swap3A_545 = arith.index_cast %scan3A_39 : i32 to index
        %swap3A_546 = arith.index_cast %swap3A_544 : i32 to index
        %swap3A_547 = arith.constant 16 : index
        %swap3A_548 = tpu.vector_load %arg8[%swap3A_545, %swap3A_546, %swap3A_547] {strides = array<i32>} : memref<32x20x64xf32, #tpu.memory_space<vmem>>, vector<16xf32>,
        tpu.vector_store %arg8[%swap3A_545, %swap3A_546, %swap3A_547], %mul3A_543 {strides = array<i32>} : memref<32x20x64xf32, #tpu.memory_space<vmem>>, vector<16xf32>,
        %mul3A_549 = arith.constant 20 : i32
        %mul3A_550 = arith.muli %scan3A_39, %mul3A_549 : i32
        %add3A_551 = arith.constant 8 : i32
        %add3A_552 = arith.addi %mul3A_550, %add3A_551 : i32
        %get3A_553 = arith.index_cast %add3A_552 : i32 to index
        %get3A_554 = arith.constant 32 : index
        %get3A_555 = tpu.vector_load %arg7[%get3A_553, %get3A_554] {strides = array<i32>} : memref<640x64xf32, #tpu.memory_space<vmem>>, vector<16xf32>,
        %mul3A_556 = arith.constant 8.000000e+00 : f32
        %mul3A_557 = vector.broadcast %mul3A_556 : f32 to vector<16xf32>
        %mul3A_558 = arith.mulf %get3A_555, %mul3A_557 : vector<16xf32>
        %swap3A_559 = arith.constant 8 : i32
        %swap3A_560 = arith.index_cast %scan3A_39 : i32 to index
        %swap3A_561 = arith.index_cast %swap3A_559 : i32 to index
        %swap3A_562 = arith.constant 32 : index
        %swap3A_563 = tpu.vector_load %arg8[%swap3A_560, %swap3A_561, %swap3A_562] {strides = array<i32>} : memref<32x20x64xf32, #tpu.memory_space<vmem>>, vector<16xf32>,
        tpu.vector_store %arg8[%swap3A_560, %swap3A_561, %swap3A_562], %mul3A_558 {strides = array<i32>} : memref<32x20x64xf32, #tpu.memory_space<vmem>>, vector<16xf32>,
        %mul3A_564 = arith.constant 20 : i32
        %mul3A_565 = arith.muli %scan3A_39, %mul3A_564 : i32
        %add3A_566 = arith.constant 8 : i32
        %add3A_567 = arith.addi %mul3A_565, %add3A_566 : i32
        %get3A_568 = arith.index_cast %add3A_567 : i32 to index
        %get3A_569 = arith.constant 48 : index
        %get3A_570 = tpu.vector_load %arg7[%get3A_568, %get3A_569] {strides = array<i32>} : memref<640x64xf32, #tpu.memory_space<vmem>>, vector<16xf32>,
        %mul3A_571 = arith.constant 8.000000e+00 : f32
        %mul3A_572 = vector.broadcast %mul3A_571 : f32 to vector<16xf32>
        %mul3A_573 = arith.mulf %get3A_570, %mul3A_572 : vector<16xf32>
        %swap3A_574 = arith.constant 8 : i32
        %swap3A_575 = arith.index_cast %scan3A_39 : i32 to index
        %swap3A_576 = arith.index_cast %swap3A_574 : i32 to index
        %swap3A_577 = arith.constant 48 : index
        %swap3A_578 = tpu.vector_load %arg8[%swap3A_575, %swap3A_576, %swap3A_577] {strides = array<i32>} : memref<32x20x64xf32, #tpu.memory_space<vmem>>, vector<16xf32>,
        tpu.vector_store %arg8[%swap3A_575, %swap3A_576, %swap3A_577], %mul3A_573 {strides = array<i32>} : memref<32x20x64xf32, #tpu.memory_space<vmem>>, vector<16xf32>,
        %mul3A_579 = arith.constant 20 : i32
        %mul3A_580 = arith.muli %scan3A_39, %mul3A_579 : i32
        %add3A_581 = arith.constant 9 : i32
        %add3A_582 = arith.addi %mul3A_580, %add3A_581 : i32
        %get3A_583 = arith.index_cast %add3A_582 : i32 to index
        %get3A_584 = arith.constant 0 : index
        %get3A_585 = tpu.vector_load %arg7[%get3A_583, %get3A_584] {strides = array<i32>} : memref<640x64xf32, #tpu.memory_space<vmem>>, vector<16xf32>,
        %mul3A_586 = arith.constant 8.000000e+00 : f32
        %mul3A_587 = vector.broadcast %mul3A_586 : f32 to vector<16xf32>
        %mul3A_588 = arith.mulf %get3A_585, %mul3A_587 : vector<16xf32>
        %swap3A_589 = arith.constant 9 : i32
        %swap3A_590 = arith.index_cast %scan3A_39 : i32 to index
        %swap3A_591 = arith.index_cast %swap3A_589 : i32 to index
        %swap3A_592 = arith.constant 0 : index
        %swap3A_593 = tpu.vector_load %arg8[%swap3A_590, %swap3A_591, %swap3A_592] {strides = array<i32>} : memref<32x20x64xf32, #tpu.memory_space<vmem>>, vector<16xf32>,
        tpu.vector_store %arg8[%swap3A_590, %swap3A_591, %swap3A_592], %mul3A_588 {strides = array<i32>} : memref<32x20x64xf32, #tpu.memory_space<vmem>>, vector<16xf32>,
        %mul3A_594 = arith.constant 20 : i32
        %mul3A_595 = arith.muli %scan3A_39, %mul3A_594 : i32
        %add3A_596 = arith.constant 9 : i32
        %add3A_597 = arith.addi %mul3A_595, %add3A_596 : i32
        %get3A_598 = arith.index_cast %add3A_597 : i32 to index
        %get3A_599 = arith.constant 16 : index
        %get3A_600 = tpu.vector_load %arg7[%get3A_598, %get3A_599] {strides = array<i32>} : memref<640x64xf32, #tpu.memory_space<vmem>>, vector<16xf32>,
        %mul3A_601 = arith.constant 8.000000e+00 : f32
        %mul3A_602 = vector.broadcast %mul3A_601 : f32 to vector<16xf32>
        %mul3A_603 = arith.mulf %get3A_600, %mul3A_602 : vector<16xf32>
        %swap3A_604 = arith.constant 9 : i32
        %swap3A_605 = arith.index_cast %scan3A_39 : i32 to index
        %swap3A_606 = arith.index_cast %swap3A_604 : i32 to index
        %swap3A_607 = arith.constant 16 : index
        %swap3A_608 = tpu.vector_load %arg8[%swap3A_605, %swap3A_606, %swap3A_607] {strides = array<i32>} : memref<32x20x64xf32, #tpu.memory_space<vmem>>, vector<16xf32>,
        tpu.vector_store %arg8[%swap3A_605, %swap3A_606, %swap3A_607], %mul3A_603 {strides = array<i32>} : memref<32x20x64xf32, #tpu.memory_space<vmem>>, vector<16xf32>,
        %mul3A_609 = arith.constant 20 : i32
        %mul3A_610 = arith.muli %scan3A_39, %mul3A_609 : i32
        %add3A_611 = arith.constant 9 : i32
        %add3A_612 = arith.addi %mul3A_610, %add3A_611 : i32
        %get3A_613 = arith.index_cast %add3A_612 : i32 to index
        %get3A_614 = arith.constant 32 : index
        %get3A_615 = tpu.vector_load %arg7[%get3A_613, %get3A_614] {strides = array<i32>} : memref<640x64xf32, #tpu.memory_space<vmem>>, vector<16xf32>,
        %mul3A_616 = arith.constant 8.000000e+00 : f32
        %mul3A_617 = vector.broadcast %mul3A_616 : f32 to vector<16xf32>
        %mul3A_618 = arith.mulf %get3A_615, %mul3A_617 : vector<16xf32>
        %swap3A_619 = arith.constant 9 : i32
        %swap3A_620 = arith.index_cast %scan3A_39 : i32 to index
        %swap3A_621 = arith.index_cast %swap3A_619 : i32 to index
        %swap3A_622 = arith.constant 32 : index
        %swap3A_623 = tpu.vector_load %arg8[%swap3A_620, %swap3A_621, %swap3A_622] {strides = array<i32>} : memref<32x20x64xf32, #tpu.memory_space<vmem>>, vector<16xf32>,
        tpu.vector_store %arg8[%swap3A_620, %swap3A_621, %swap3A_622], %mul3A_618 {strides = array<i32>} : memref<32x20x64xf32, #tpu.memory_space<vmem>>, vector<16xf32>,
        %mul3A_624 = arith.constant 20 : i32
        %mul3A_625 = arith.muli %scan3A_39, %mul3A_624 : i32
        %add3A_626 = arith.constant 9 : i32
        %add3A_627 = arith.addi %mul3A_625, %add3A_626 : i32
        %get3A_628 = arith.index_cast %add3A_627 : i32 to index
        %get3A_629 = arith.constant 48 : index
        %get3A_630 = tpu.vector_load %arg7[%get3A_628, %get3A_629] {strides = array<i32>} : memref<640x64xf32, #tpu.memory_space<vmem>>, vector<16xf32>,
        %mul3A_631 = arith.constant 8.000000e+00 : f32
        %mul3A_632 = vector.broadcast %mul3A_631 : f32 to vector<16xf32>
        %mul3A_633 = arith.mulf %get3A_630, %mul3A_632 : vector<16xf32>
        %swap3A_634 = arith.constant 9 : i32
        %swap3A_635 = arith.index_cast %scan3A_39 : i32 to index
        %swap3A_636 = arith.index_cast %swap3A_634 : i32 to index
        %swap3A_637 = arith.constant 48 : index
        %swap3A_638 = tpu.vector_load %arg8[%swap3A_635, %swap3A_636, %swap3A_637] {strides = array<i32>} : memref<32x20x64xf32, #tpu.memory_space<vmem>>, vector<16xf32>,
        tpu.vector_store %arg8[%swap3A_635, %swap3A_636, %swap3A_637], %mul3A_633 {strides = array<i32>} : memref<32x20x64xf32, #tpu.memory_space<vmem>>, vector<16xf32>,
        %mul3A_639 = arith.constant 20 : i32
        %mul3A_640 = arith.muli %scan3A_39, %mul3A_639 : i32
        %add3A_641 = arith.constant 10 : i32
        %add3A_642 = arith.addi %mul3A_640, %add3A_641 : i32
        %get3A_643 = arith.index_cast %add3A_642 : i32 to index
        %get3A_644 = arith.constant 0 : index
        %get3A_645 = tpu.vector_load %arg7[%get3A_643, %get3A_644] {strides = array<i32>} : memref<640x64xf32, #tpu.memory_space<vmem>>, vector<16xf32>,
        %mul3A_646 = arith.constant 8.000000e+00 : f32
        %mul3A_647 = vector.broadcast %mul3A_646 : f32 to vector<16xf32>
        %mul3A_648 = arith.mulf %get3A_645, %mul3A_647 : vector<16xf32>
        %swap3A_649 = arith.constant 10 : i32
        %swap3A_650 = arith.index_cast %scan3A_39 : i32 to index
        %swap3A_651 = arith.index_cast %swap3A_649 : i32 to index
        %swap3A_652 = arith.constant 0 : index
        %swap3A_653 = tpu.vector_load %arg8[%swap3A_650, %swap3A_651, %swap3A_652] {strides = array<i32>} : memref<32x20x64xf32, #tpu.memory_space<vmem>>, vector<16xf32>,
        tpu.vector_store %arg8[%swap3A_650, %swap3A_651, %swap3A_652], %mul3A_648 {strides = array<i32>} : memref<32x20x64xf32, #tpu.memory_space<vmem>>, vector<16xf32>,
        %mul3A_654 = arith.constant 20 : i32
        %mul3A_655 = arith.muli %scan3A_39, %mul3A_654 : i32
        %add3A_656 = arith.constant 10 : i32
        %add3A_657 = arith.addi %mul3A_655, %add3A_656 : i32
        %get3A_658 = arith.index_cast %add3A_657 : i32 to index
        %get3A_659 = arith.constant 16 : index
        %get3A_660 = tpu.vector_load %arg7[%get3A_658, %get3A_659] {strides = array<i32>} : memref<640x64xf32, #tpu.memory_space<vmem>>, vector<16xf32>,
        %mul3A_661 = arith.constant 8.000000e+00 : f32
        %mul3A_662 = vector.broadcast %mul3A_661 : f32 to vector<16xf32>
        %mul3A_663 = arith.mulf %get3A_660, %mul3A_662 : vector<16xf32>
        %swap3A_664 = arith.constant 10 : i32
        %swap3A_665 = arith.index_cast %scan3A_39 : i32 to index
        %swap3A_666 = arith.index_cast %swap3A_664 : i32 to index
        %swap3A_667 = arith.constant 16 : index
        %swap3A_668 = tpu.vector_load %arg8[%swap3A_665, %swap3A_666, %swap3A_667] {strides = array<i32>} : memref<32x20x64xf32, #tpu.memory_space<vmem>>, vector<16xf32>,
        tpu.vector_store %arg8[%swap3A_665, %swap3A_666, %swap3A_667], %mul3A_663 {strides = array<i32>} : memref<32x20x64xf32, #tpu.memory_space<vmem>>, vector<16xf32>,
        %mul3A_669 = arith.constant 20 : i32
        %mul3A_670 = arith.muli %scan3A_39, %mul3A_669 : i32
        %add3A_671 = arith.constant 10 : i32
        %add3A_672 = arith.addi %mul3A_670, %add3A_671 : i32
        %get3A_673 = arith.index_cast %add3A_672 : i32 to index
        %get3A_674 = arith.constant 32 : index
        %get3A_675 = tpu.vector_load %arg7[%get3A_673, %get3A_674] {strides = array<i32>} : memref<640x64xf32, #tpu.memory_space<vmem>>, vector<16xf32>,
        %mul3A_676 = arith.constant 8.000000e+00 : f32
        %mul3A_677 = vector.broadcast %mul3A_676 : f32 to vector<16xf32>
        %mul3A_678 = arith.mulf %get3A_675, %mul3A_677 : vector<16xf32>
        %swap3A_679 = arith.constant 10 : i32
        %swap3A_680 = arith.index_cast %scan3A_39 : i32 to index
        %swap3A_681 = arith.index_cast %swap3A_679 : i32 to index
        %swap3A_682 = arith.constant 32 : index
        %swap3A_683 = tpu.vector_load %arg8[%swap3A_680, %swap3A_681, %swap3A_682] {strides = array<i32>} : memref<32x20x64xf32, #tpu.memory_space<vmem>>, vector<16xf32>,
        tpu.vector_store %arg8[%swap3A_680, %swap3A_681, %swap3A_682], %mul3A_678 {strides = array<i32>} : memref<32x20x64xf32, #tpu.memory_space<vmem>>, vector<16xf32>,
        %mul3A_684 = arith.constant 20 : i32
        %mul3A_685 = arith.muli %scan3A_39, %mul3A_684 : i32
        %add3A_686 = arith.constant 10 : i32
        %add3A_687 = arith.addi %mul3A_685, %add3A_686 : i32
        %get3A_688 = arith.index_cast %add3A_687 : i32 to index
        %get3A_689 = arith.constant 48 : index
        %get3A_690 = tpu.vector_load %arg7[%get3A_688, %get3A_689] {strides = array<i32>} : memref<640x64xf32, #tpu.memory_space<vmem>>, vector<16xf32>,
        %mul3A_691 = arith.constant 8.000000e+00 : f32
        %mul3A_692 = vector.broadcast %mul3A_691 : f32 to vector<16xf32>
        %mul3A_693 = arith.mulf %get3A_690, %mul3A_692 : vector<16xf32>
        %swap3A_694 = arith.constant 10 : i32
        %swap3A_695 = arith.index_cast %scan3A_39 : i32 to index
        %swap3A_696 = arith.index_cast %swap3A_694 : i32 to index
        %swap3A_697 = arith.constant 48 : index
        %swap3A_698 = tpu.vector_load %arg8[%swap3A_695, %swap3A_696, %swap3A_697] {strides = array<i32>} : memref<32x20x64xf32, #tpu.memory_space<vmem>>, vector<16xf32>,
        tpu.vector_store %arg8[%swap3A_695, %swap3A_696, %swap3A_697], %mul3A_693 {strides = array<i32>} : memref<32x20x64xf32, #tpu.memory_space<vmem>>, vector<16xf32>,
        %mul3A_699 = arith.constant 20 : i32
        %mul3A_700 = arith.muli %scan3A_39, %mul3A_699 : i32
        %add3A_701 = arith.constant 11 : i32
        %add3A_702 = arith.addi %mul3A_700, %add3A_701 : i32
        %get3A_703 = arith.index_cast %add3A_702 : i32 to index
        %get3A_704 = arith.constant 0 : index
        %get3A_705 = tpu.vector_load %arg7[%get3A_703, %get3A_704] {strides = array<i32>} : memref<640x64xf32, #tpu.memory_space<vmem>>, vector<16xf32>,
        %mul3A_706 = arith.constant 8.000000e+00 : f32
        %mul3A_707 = vector.broadcast %mul3A_706 : f32 to vector<16xf32>
        %mul3A_708 = arith.mulf %get3A_705, %mul3A_707 : vector<16xf32>
        %swap3A_709 = arith.constant 11 : i32
        %swap3A_710 = arith.index_cast %scan3A_39 : i32 to index
        %swap3A_711 = arith.index_cast %swap3A_709 : i32 to index
        %swap3A_712 = arith.constant 0 : index
        %swap3A_713 = tpu.vector_load %arg8[%swap3A_710, %swap3A_711, %swap3A_712] {strides = array<i32>} : memref<32x20x64xf32, #tpu.memory_space<vmem>>, vector<16xf32>,
        tpu.vector_store %arg8[%swap3A_710, %swap3A_711, %swap3A_712], %mul3A_708 {strides = array<i32>} : memref<32x20x64xf32, #tpu.memory_space<vmem>>, vector<16xf32>,
        %mul3A_714 = arith.constant 20 : i32
        %mul3A_715 = arith.muli %scan3A_39, %mul3A_714 : i32
        %add3A_716 = arith.constant 11 : i32
        %add3A_717 = arith.addi %mul3A_715, %add3A_716 : i32
        %get3A_718 = arith.index_cast %add3A_717 : i32 to index
        %get3A_719 = arith.constant 16 : index
        %get3A_720 = tpu.vector_load %arg7[%get3A_718, %get3A_719] {strides = array<i32>} : memref<640x64xf32, #tpu.memory_space<vmem>>, vector<16xf32>,
        %mul3A_721 = arith.constant 8.000000e+00 : f32
        %mul3A_722 = vector.broadcast %mul3A_721 : f32 to vector<16xf32>
        %mul3A_723 = arith.mulf %get3A_720, %mul3A_722 : vector<16xf32>
        %swap3A_724 = arith.constant 11 : i32
        %swap3A_725 = arith.index_cast %scan3A_39 : i32 to index
        %swap3A_726 = arith.index_cast %swap3A_724 : i32 to index
        %swap3A_727 = arith.constant 16 : index
        %swap3A_728 = tpu.vector_load %arg8[%swap3A_725, %swap3A_726, %swap3A_727] {strides = array<i32>} : memref<32x20x64xf32, #tpu.memory_space<vmem>>, vector<16xf32>,
        tpu.vector_store %arg8[%swap3A_725, %swap3A_726, %swap3A_727], %mul3A_723 {strides = array<i32>} : memref<32x20x64xf32, #tpu.memory_space<vmem>>, vector<16xf32>,
        %mul3A_729 = arith.constant 20 : i32
        %mul3A_730 = arith.muli %scan3A_39, %mul3A_729 : i32
        %add3A_731 = arith.constant 11 : i32
        %add3A_732 = arith.addi %mul3A_730, %add3A_731 : i32
        %get3A_733 = arith.index_cast %add3A_732 : i32 to index
        %get3A_734 = arith.constant 32 : index
        %get3A_735 = tpu.vector_load %arg7[%get3A_733, %get3A_734] {strides = array<i32>} : memref<640x64xf32, #tpu.memory_space<vmem>>, vector<16xf32>,
        %mul3A_736 = arith.constant 8.000000e+00 : f32
        %mul3A_737 = vector.broadcast %mul3A_736 : f32 to vector<16xf32>
        %mul3A_738 = arith.mulf %get3A_735, %mul3A_737 : vector<16xf32>
        %swap3A_739 = arith.constant 11 : i32
        %swap3A_740 = arith.index_cast %scan3A_39 : i32 to index
        %swap3A_741 = arith.index_cast %swap3A_739 : i32 to index
        %swap3A_742 = arith.constant 32 : index
        %swap3A_743 = tpu.vector_load %arg8[%swap3A_740, %swap3A_741, %swap3A_742] {strides = array<i32>} : memref<32x20x64xf32, #tpu.memory_space<vmem>>, vector<16xf32>,
        tpu.vector_store %arg8[%swap3A_740, %swap3A_741, %swap3A_742], %mul3A_738 {strides = array<i32>} : memref<32x20x64xf32, #tpu.memory_space<vmem>>, vector<16xf32>,
        %mul3A_744 = arith.constant 20 : i32
        %mul3A_745 = arith.muli %scan3A_39, %mul3A_744 : i32
        %add3A_746 = arith.constant 11 : i32
        %add3A_747 = arith.addi %mul3A_745, %add3A_746 : i32
        %get3A_748 = arith.index_cast %add3A_747 : i32 to index
        %get3A_749 = arith.constant 48 : index
        %get3A_750 = tpu.vector_load %arg7[%get3A_748, %get3A_749] {strides = array<i32>} : memref<640x64xf32, #tpu.memory_space<vmem>>, vector<16xf32>,
        %mul3A_751 = arith.constant 8.000000e+00 : f32
        %mul3A_752 = vector.broadcast %mul3A_751 : f32 to vector<16xf32>
        %mul3A_753 = arith.mulf %get3A_750, %mul3A_752 : vector<16xf32>
        %swap3A_754 = arith.constant 11 : i32
        %swap3A_755 = arith.index_cast %scan3A_39 : i32 to index
        %swap3A_756 = arith.index_cast %swap3A_754 : i32 to index
        %swap3A_757 = arith.constant 48 : index
        %swap3A_758 = tpu.vector_load %arg8[%swap3A_755, %swap3A_756, %swap3A_757] {strides = array<i32>} : memref<32x20x64xf32, #tpu.memory_space<vmem>>, vector<16xf32>,
        tpu.vector_store %arg8[%swap3A_755, %swap3A_756, %swap3A_757], %mul3A_753 {strides = array<i32>} : memref<32x20x64xf32, #tpu.memory_space<vmem>>, vector<16xf32>,
        %mul3A_759 = arith.constant 20 : i32
        %mul3A_760 = arith.muli %scan3A_39, %mul3A_759 : i32
        %add3A_761 = arith.constant 12 : i32
        %add3A_762 = arith.addi %mul3A_760, %add3A_761 : i32
        %get3A_763 = arith.index_cast %add3A_762 : i32 to index
        %get3A_764 = arith.constant 0 : index
        %get3A_765 = tpu.vector_load %arg7[%get3A_763, %get3A_764] {strides = array<i32>} : memref<640x64xf32, #tpu.memory_space<vmem>>, vector<16xf32>,
        %mul3A_766 = arith.constant 8.000000e+00 : f32
        %mul3A_767 = vector.broadcast %mul3A_766 : f32 to vector<16xf32>
        %mul3A_768 = arith.mulf %get3A_765, %mul3A_767 : vector<16xf32>
        %swap3A_769 = arith.constant 12 : i32
        %swap3A_770 = arith.index_cast %scan3A_39 : i32 to index
        %swap3A_771 = arith.index_cast %swap3A_769 : i32 to index
        %swap3A_772 = arith.constant 0 : index
        %swap3A_773 = tpu.vector_load %arg8[%swap3A_770, %swap3A_771, %swap3A_772] {strides = array<i32>} : memref<32x20x64xf32, #tpu.memory_space<vmem>>, vector<16xf32>,
        tpu.vector_store %arg8[%swap3A_770, %swap3A_771, %swap3A_772], %mul3A_768 {strides = array<i32>} : memref<32x20x64xf32, #tpu.memory_space<vmem>>, vector<16xf32>,
        %mul3A_774 = arith.constant 20 : i32
        %mul3A_775 = arith.muli %scan3A_39, %mul3A_774 : i32
        %add3A_776 = arith.constant 12 : i32
        %add3A_777 = arith.addi %mul3A_775, %add3A_776 : i32
        %get3A_778 = arith.index_cast %add3A_777 : i32 to index
        %get3A_779 = arith.constant 16 : index
        %get3A_780 = tpu.vector_load %arg7[%get3A_778, %get3A_779] {strides = array<i32>} : memref<640x64xf32, #tpu.memory_space<vmem>>, vector<16xf32>,
        %mul3A_781 = arith.constant 8.000000e+00 : f32
        %mul3A_782 = vector.broadcast %mul3A_781 : f32 to vector<16xf32>
        %mul3A_783 = arith.mulf %get3A_780, %mul3A_782 : vector<16xf32>
        %swap3A_784 = arith.constant 12 : i32
        %swap3A_785 = arith.index_cast %scan3A_39 : i32 to index
        %swap3A_786 = arith.index_cast %swap3A_784 : i32 to index
        %swap3A_787 = arith.constant 16 : index
        %swap3A_788 = tpu.vector_load %arg8[%swap3A_785, %swap3A_786, %swap3A_787] {strides = array<i32>} : memref<32x20x64xf32, #tpu.memory_space<vmem>>, vector<16xf32>,
        tpu.vector_store %arg8[%swap3A_785, %swap3A_786, %swap3A_787], %mul3A_783 {strides = array<i32>} : memref<32x20x64xf32, #tpu.memory_space<vmem>>, vector<16xf32>,
        %mul3A_789 = arith.constant 20 : i32
        %mul3A_790 = arith.muli %scan3A_39, %mul3A_789 : i32
        %add3A_791 = arith.constant 12 : i32
        %add3A_792 = arith.addi %mul3A_790, %add3A_791 : i32
        %get3A_793 = arith.index_cast %add3A_792 : i32 to index
        %get3A_794 = arith.constant 32 : index
        %get3A_795 = tpu.vector_load %arg7[%get3A_793, %get3A_794] {strides = array<i32>} : memref<640x64xf32, #tpu.memory_space<vmem>>, vector<16xf32>,
        %mul3A_796 = arith.constant 8.000000e+00 : f32
        %mul3A_797 = vector.broadcast %mul3A_796 : f32 to vector<16xf32>
        %mul3A_798 = arith.mulf %get3A_795, %mul3A_797 : vector<16xf32>
        %swap3A_799 = arith.constant 12 : i32
        %swap3A_800 = arith.index_cast %scan3A_39 : i32 to index
        %swap3A_801 = arith.index_cast %swap3A_799 : i32 to index
        %swap3A_802 = arith.constant 32 : index
        %swap3A_803 = tpu.vector_load %arg8[%swap3A_800, %swap3A_801, %swap3A_802] {strides = array<i32>} : memref<32x20x64xf32, #tpu.memory_space<vmem>>, vector<16xf32>,
        tpu.vector_store %arg8[%swap3A_800, %swap3A_801, %swap3A_802], %mul3A_798 {strides = array<i32>} : memref<32x20x64xf32, #tpu.memory_space<vmem>>, vector<16xf32>,
        %mul3A_804 = arith.constant 20 : i32
        %mul3A_805 = arith.muli %scan3A_39, %mul3A_804 : i32
        %add3A_806 = arith.constant 12 : i32
        %add3A_807 = arith.addi %mul3A_805, %add3A_806 : i32
        %get3A_808 = arith.index_cast %add3A_807 : i32 to index
        %get3A_809 = arith.constant 48 : index
        %get3A_810 = tpu.vector_load %arg7[%get3A_808, %get3A_809] {strides = array<i32>} : memref<640x64xf32, #tpu.memory_space<vmem>>, vector<16xf32>,
        %mul3A_811 = arith.constant 8.000000e+00 : f32
        %mul3A_812 = vector.broadcast %mul3A_811 : f32 to vector<16xf32>
        %mul3A_813 = arith.mulf %get3A_810, %mul3A_812 : vector<16xf32>
        %swap3A_814 = arith.constant 12 : i32
        %swap3A_815 = arith.index_cast %scan3A_39 : i32 to index
        %swap3A_816 = arith.index_cast %swap3A_814 : i32 to index
        %swap3A_817 = arith.constant 48 : index
        %swap3A_818 = tpu.vector_load %arg8[%swap3A_815, %swap3A_816, %swap3A_817] {strides = array<i32>} : memref<32x20x64xf32, #tpu.memory_space<vmem>>, vector<16xf32>,
        tpu.vector_store %arg8[%swap3A_815, %swap3A_816, %swap3A_817], %mul3A_813 {strides = array<i32>} : memref<32x20x64xf32, #tpu.memory_space<vmem>>, vector<16xf32>,
        %mul3A_819 = arith.constant 20 : i32
        %mul3A_820 = arith.muli %scan3A_39, %mul3A_819 : i32
        %add3A_821 = arith.constant 13 : i32
        %add3A_822 = arith.addi %mul3A_820, %add3A_821 : i32
        %get3A_823 = arith.index_cast %add3A_822 : i32 to index
        %get3A_824 = arith.constant 0 : index
        %get3A_825 = tpu.vector_load %arg7[%get3A_823, %get3A_824] {strides = array<i32>} : memref<640x64xf32, #tpu.memory_space<vmem>>, vector<16xf32>,
        %mul3A_826 = arith.constant 8.000000e+00 : f32
        %mul3A_827 = vector.broadcast %mul3A_826 : f32 to vector<16xf32>
        %mul3A_828 = arith.mulf %get3A_825, %mul3A_827 : vector<16xf32>
        %swap3A_829 = arith.constant 13 : i32
        %swap3A_830 = arith.index_cast %scan3A_39 : i32 to index
        %swap3A_831 = arith.index_cast %swap3A_829 : i32 to index
        %swap3A_832 = arith.constant 0 : index
        %swap3A_833 = tpu.vector_load %arg8[%swap3A_830, %swap3A_831, %swap3A_832] {strides = array<i32>} : memref<32x20x64xf32, #tpu.memory_space<vmem>>, vector<16xf32>,
        tpu.vector_store %arg8[%swap3A_830, %swap3A_831, %swap3A_832], %mul3A_828 {strides = array<i32>} : memref<32x20x64xf32, #tpu.memory_space<vmem>>, vector<16xf32>,
        %mul3A_834 = arith.constant 20 : i32
        %mul3A_835 = arith.muli %scan3A_39, %mul3A_834 : i32
        %add3A_836 = arith.constant 13 : i32
        %add3A_837 = arith.addi %mul3A_835, %add3A_836 : i32
        %get3A_838 = arith.index_cast %add3A_837 : i32 to index
        %get3A_839 = arith.constant 16 : index
        %get3A_840 = tpu.vector_load %arg7[%get3A_838, %get3A_839] {strides = array<i32>} : memref<640x64xf32, #tpu.memory_space<vmem>>, vector<16xf32>,
        %mul3A_841 = arith.constant 8.000000e+00 : f32
        %mul3A_842 = vector.broadcast %mul3A_841 : f32 to vector<16xf32>
        %mul3A_843 = arith.mulf %get3A_840, %mul3A_842 : vector<16xf32>
        %swap3A_844 = arith.constant 13 : i32
        %swap3A_845 = arith.index_cast %scan3A_39 : i32 to index
        %swap3A_846 = arith.index_cast %swap3A_844 : i32 to index
        %swap3A_847 = arith.constant 16 : index
        %swap3A_848 = tpu.vector_load %arg8[%swap3A_845, %swap3A_846, %swap3A_847] {strides = array<i32>} : memref<32x20x64xf32, #tpu.memory_space<vmem>>, vector<16xf32>,
        tpu.vector_store %arg8[%swap3A_845, %swap3A_846, %swap3A_847], %mul3A_843 {strides = array<i32>} : memref<32x20x64xf32, #tpu.memory_space<vmem>>, vector<16xf32>,
        %mul3A_849 = arith.constant 20 : i32
        %mul3A_850 = arith.muli %scan3A_39, %mul3A_849 : i32
        %add3A_851 = arith.constant 13 : i32
        %add3A_852 = arith.addi %mul3A_850, %add3A_851 : i32
        %get3A_853 = arith.index_cast %add3A_852 : i32 to index
        %get3A_854 = arith.constant 32 : index
        %get3A_855 = tpu.vector_load %arg7[%get3A_853, %get3A_854] {strides = array<i32>} : memref<640x64xf32, #tpu.memory_space<vmem>>, vector<16xf32>,
        %mul3A_856 = arith.constant 8.000000e+00 : f32
        %mul3A_857 = vector.broadcast %mul3A_856 : f32 to vector<16xf32>
        %mul3A_858 = arith.mulf %get3A_855, %mul3A_857 : vector<16xf32>
        %swap3A_859 = arith.constant 13 : i32
        %swap3A_860 = arith.index_cast %scan3A_39 : i32 to index
        %swap3A_861 = arith.index_cast %swap3A_859 : i32 to index
        %swap3A_862 = arith.constant 32 : index
        %swap3A_863 = tpu.vector_load %arg8[%swap3A_860, %swap3A_861, %swap3A_862] {strides = array<i32>} : memref<32x20x64xf32, #tpu.memory_space<vmem>>, vector<16xf32>,
        tpu.vector_store %arg8[%swap3A_860, %swap3A_861, %swap3A_862], %mul3A_858 {strides = array<i32>} : memref<32x20x64xf32, #tpu.memory_space<vmem>>, vector<16xf32>,
        %mul3A_864 = arith.constant 20 : i32
        %mul3A_865 = arith.muli %scan3A_39, %mul3A_864 : i32
        %add3A_866 = arith.constant 13 : i32
        %add3A_867 = arith.addi %mul3A_865, %add3A_866 : i32
        %get3A_868 = arith.index_cast %add3A_867 : i32 to index
        %get3A_869 = arith.constant 48 : index
        %get3A_870 = tpu.vector_load %arg7[%get3A_868, %get3A_869] {strides = array<i32>} : memref<640x64xf32, #tpu.memory_space<vmem>>, vector<16xf32>,
        %mul3A_871 = arith.constant 8.000000e+00 : f32
        %mul3A_872 = vector.broadcast %mul3A_871 : f32 to vector<16xf32>
        %mul3A_873 = arith.mulf %get3A_870, %mul3A_872 : vector<16xf32>
        %swap3A_874 = arith.constant 13 : i32
        %swap3A_875 = arith.index_cast %scan3A_39 : i32 to index
        %swap3A_876 = arith.index_cast %swap3A_874 : i32 to index
        %swap3A_877 = arith.constant 48 : index
        %swap3A_878 = tpu.vector_load %arg8[%swap3A_875, %swap3A_876, %swap3A_877] {strides = array<i32>} : memref<32x20x64xf32, #tpu.memory_space<vmem>>, vector<16xf32>,
        tpu.vector_store %arg8[%swap3A_875, %swap3A_876, %swap3A_877], %mul3A_873 {strides = array<i32>} : memref<32x20x64xf32, #tpu.memory_space<vmem>>, vector<16xf32>,
        %mul3A_879 = arith.constant 20 : i32
        %mul3A_880 = arith.muli %scan3A_39, %mul3A_879 : i32
        %add3A_881 = arith.constant 14 : i32
        %add3A_882 = arith.addi %mul3A_880, %add3A_881 : i32
        %get3A_883 = arith.index_cast %add3A_882 : i32 to index
        %get3A_884 = arith.constant 0 : index
        %get3A_885 = tpu.vector_load %arg7[%get3A_883, %get3A_884] {strides = array<i32>} : memref<640x64xf32, #tpu.memory_space<vmem>>, vector<16xf32>,
        %mul3A_886 = arith.constant 8.000000e+00 : f32
        %mul3A_887 = vector.broadcast %mul3A_886 : f32 to vector<16xf32>
        %mul3A_888 = arith.mulf %get3A_885, %mul3A_887 : vector<16xf32>
        %swap3A_889 = arith.constant 14 : i32
        %swap3A_890 = arith.index_cast %scan3A_39 : i32 to index
        %swap3A_891 = arith.index_cast %swap3A_889 : i32 to index
        %swap3A_892 = arith.constant 0 : index
        %swap3A_893 = tpu.vector_load %arg8[%swap3A_890, %swap3A_891, %swap3A_892] {strides = array<i32>} : memref<32x20x64xf32, #tpu.memory_space<vmem>>, vector<16xf32>,
        tpu.vector_store %arg8[%swap3A_890, %swap3A_891, %swap3A_892], %mul3A_888 {strides = array<i32>} : memref<32x20x64xf32, #tpu.memory_space<vmem>>, vector<16xf32>,
        %mul3A_894 = arith.constant 20 : i32
        %mul3A_895 = arith.muli %scan3A_39, %mul3A_894 : i32
        %add3A_896 = arith.constant 14 : i32
        %add3A_897 = arith.addi %mul3A_895, %add3A_896 : i32
        %get3A_898 = arith.index_cast %add3A_897 : i32 to index
        %get3A_899 = arith.constant 16 : index
        %get3A_900 = tpu.vector_load %arg7[%get3A_898, %get3A_899] {strides = array<i32>} : memref<640x64xf32, #tpu.memory_space<vmem>>, vector<16xf32>,
        %mul3A_901 = arith.constant 8.000000e+00 : f32
        %mul3A_902 = vector.broadcast %mul3A_901 : f32 to vector<16xf32>
        %mul3A_903 = arith.mulf %get3A_900, %mul3A_902 : vector<16xf32>
        %swap3A_904 = arith.constant 14 : i32
        %swap3A_905 = arith.index_cast %scan3A_39 : i32 to index
        %swap3A_906 = arith.index_cast %swap3A_904 : i32 to index
        %swap3A_907 = arith.constant 16 : index
        %swap3A_908 = tpu.vector_load %arg8[%swap3A_905, %swap3A_906, %swap3A_907] {strides = array<i32>} : memref<32x20x64xf32, #tpu.memory_space<vmem>>, vector<16xf32>,
        tpu.vector_store %arg8[%swap3A_905, %swap3A_906, %swap3A_907], %mul3A_903 {strides = array<i32>} : memref<32x20x64xf32, #tpu.memory_space<vmem>>, vector<16xf32>,
        %mul3A_909 = arith.constant 20 : i32
        %mul3A_910 = arith.muli %scan3A_39, %mul3A_909 : i32
        %add3A_911 = arith.constant 14 : i32
        %add3A_912 = arith.addi %mul3A_910, %add3A_911 : i32
        %get3A_913 = arith.index_cast %add3A_912 : i32 to index
        %get3A_914 = arith.constant 32 : index
        %get3A_915 = tpu.vector_load %arg7[%get3A_913, %get3A_914] {strides = array<i32>} : memref<640x64xf32, #tpu.memory_space<vmem>>, vector<16xf32>,
        %mul3A_916 = arith.constant 8.000000e+00 : f32
        %mul3A_917 = vector.broadcast %mul3A_916 : f32 to vector<16xf32>
        %mul3A_918 = arith.mulf %get3A_915, %mul3A_917 : vector<16xf32>
        %swap3A_919 = arith.constant 14 : i32
        %swap3A_920 = arith.index_cast %scan3A_39 : i32 to index
        %swap3A_921 = arith.index_cast %swap3A_919 : i32 to index
        %swap3A_922 = arith.constant 32 : index
        %swap3A_923 = tpu.vector_load %arg8[%swap3A_920, %swap3A_921, %swap3A_922] {strides = array<i32>} : memref<32x20x64xf32, #tpu.memory_space<vmem>>, vector<16xf32>,
        tpu.vector_store %arg8[%swap3A_920, %swap3A_921, %swap3A_922], %mul3A_918 {strides = array<i32>} : memref<32x20x64xf32, #tpu.memory_space<vmem>>, vector<16xf32>,
        %mul3A_924 = arith.constant 20 : i32
        %mul3A_925 = arith.muli %scan3A_39, %mul3A_924 : i32
        %add3A_926 = arith.constant 14 : i32
        %add3A_927 = arith.addi %mul3A_925, %add3A_926 : i32
        %get3A_928 = arith.index_cast %add3A_927 : i32 to index
        %get3A_929 = arith.constant 48 : index
        %get3A_930 = tpu.vector_load %arg7[%get3A_928, %get3A_929] {strides = array<i32>} : memref<640x64xf32, #tpu.memory_space<vmem>>, vector<16xf32>,
        %mul3A_931 = arith.constant 8.000000e+00 : f32
        %mul3A_932 = vector.broadcast %mul3A_931 : f32 to vector<16xf32>
        %mul3A_933 = arith.mulf %get3A_930, %mul3A_932 : vector<16xf32>
        %swap3A_934 = arith.constant 14 : i32
        %swap3A_935 = arith.index_cast %scan3A_39 : i32 to index
        %swap3A_936 = arith.index_cast %swap3A_934 : i32 to index
        %swap3A_937 = arith.constant 48 : index
        %swap3A_938 = tpu.vector_load %arg8[%swap3A_935, %swap3A_936, %swap3A_937] {strides = array<i32>} : memref<32x20x64xf32, #tpu.memory_space<vmem>>, vector<16xf32>,
        tpu.vector_store %arg8[%swap3A_935, %swap3A_936, %swap3A_937], %mul3A_933 {strides = array<i32>} : memref<32x20x64xf32, #tpu.memory_space<vmem>>, vector<16xf32>,
        %mul3A_939 = arith.constant 20 : i32
        %mul3A_940 = arith.muli %scan3A_39, %mul3A_939 : i32
        %add3A_941 = arith.constant 15 : i32
        %add3A_942 = arith.addi %mul3A_940, %add3A_941 : i32
        %get3A_943 = arith.index_cast %add3A_942 : i32 to index
        %get3A_944 = arith.constant 0 : index
        %get3A_945 = tpu.vector_load %arg7[%get3A_943, %get3A_944] {strides = array<i32>} : memref<640x64xf32, #tpu.memory_space<vmem>>, vector<16xf32>,
        %mul3A_946 = arith.constant 8.000000e+00 : f32
        %mul3A_947 = vector.broadcast %mul3A_946 : f32 to vector<16xf32>
        %mul3A_948 = arith.mulf %get3A_945, %mul3A_947 : vector<16xf32>
        %swap3A_949 = arith.constant 15 : i32
        %swap3A_950 = arith.index_cast %scan3A_39 : i32 to index
        %swap3A_951 = arith.index_cast %swap3A_949 : i32 to index
        %swap3A_952 = arith.constant 0 : index
        %swap3A_953 = tpu.vector_load %arg8[%swap3A_950, %swap3A_951, %swap3A_952] {strides = array<i32>} : memref<32x20x64xf32, #tpu.memory_space<vmem>>, vector<16xf32>,
        tpu.vector_store %arg8[%swap3A_950, %swap3A_951, %swap3A_952], %mul3A_948 {strides = array<i32>} : memref<32x20x64xf32, #tpu.memory_space<vmem>>, vector<16xf32>,
        %mul3A_954 = arith.constant 20 : i32
        %mul3A_955 = arith.muli %scan3A_39, %mul3A_954 : i32
        %add3A_956 = arith.constant 15 : i32
        %add3A_957 = arith.addi %mul3A_955, %add3A_956 : i32
        %get3A_958 = arith.index_cast %add3A_957 : i32 to index
        %get3A_959 = arith.constant 16 : index
        %get3A_960 = tpu.vector_load %arg7[%get3A_958, %get3A_959] {strides = array<i32>} : memref<640x64xf32, #tpu.memory_space<vmem>>, vector<16xf32>,
        %mul3A_961 = arith.constant 8.000000e+00 : f32
        %mul3A_962 = vector.broadcast %mul3A_961 : f32 to vector<16xf32>
        %mul3A_963 = arith.mulf %get3A_960, %mul3A_962 : vector<16xf32>
        %swap3A_964 = arith.constant 15 : i32
        %swap3A_965 = arith.index_cast %scan3A_39 : i32 to index
        %swap3A_966 = arith.index_cast %swap3A_964 : i32 to index
        %swap3A_967 = arith.constant 16 : index
        %swap3A_968 = tpu.vector_load %arg8[%swap3A_965, %swap3A_966, %swap3A_967] {strides = array<i32>} : memref<32x20x64xf32, #tpu.memory_space<vmem>>, vector<16xf32>,
        tpu.vector_store %arg8[%swap3A_965, %swap3A_966, %swap3A_967], %mul3A_963 {strides = array<i32>} : memref<32x20x64xf32, #tpu.memory_space<vmem>>, vector<16xf32>,
        %mul3A_969 = arith.constant 20 : i32
        %mul3A_970 = arith.muli %scan3A_39, %mul3A_969 : i32
        %add3A_971 = arith.constant 15 : i32
        %add3A_972 = arith.addi %mul3A_970, %add3A_971 : i32
        %get3A_973 = arith.index_cast %add3A_972 : i32 to index
        %get3A_974 = arith.constant 32 : index
        %get3A_975 = tpu.vector_load %arg7[%get3A_973, %get3A_974] {strides = array<i32>} : memref<640x64xf32, #tpu.memory_space<vmem>>, vector<16xf32>,
        %mul3A_976 = arith.constant 8.000000e+00 : f32
        %mul3A_977 = vector.broadcast %mul3A_976 : f32 to vector<16xf32>
        %mul3A_978 = arith.mulf %get3A_975, %mul3A_977 : vector<16xf32>
        %swap3A_979 = arith.constant 15 : i32
        %swap3A_980 = arith.index_cast %scan3A_39 : i32 to index
        %swap3A_981 = arith.index_cast %swap3A_979 : i32 to index
        %swap3A_982 = arith.constant 32 : index
        %swap3A_983 = tpu.vector_load %arg8[%swap3A_980, %swap3A_981, %swap3A_982] {strides = array<i32>} : memref<32x20x64xf32, #tpu.memory_space<vmem>>, vector<16xf32>,
        tpu.vector_store %arg8[%swap3A_980, %swap3A_981, %swap3A_982], %mul3A_978 {strides = array<i32>} : memref<32x20x64xf32, #tpu.memory_space<vmem>>, vector<16xf32>,
        %mul3A_984 = arith.constant 20 : i32
        %mul3A_985 = arith.muli %scan3A_39, %mul3A_984 : i32
        %add3A_986 = arith.constant 15 : i32
        %add3A_987 = arith.addi %mul3A_985, %add3A_986 : i32
        %get3A_988 = arith.index_cast %add3A_987 : i32 to index
        %get3A_989 = arith.constant 48 : index
        %get3A_990 = tpu.vector_load %arg7[%get3A_988, %get3A_989] {strides = array<i32>} : memref<640x64xf32, #tpu.memory_space<vmem>>, vector<16xf32>,
        %mul3A_991 = arith.constant 8.000000e+00 : f32
        %mul3A_992 = vector.broadcast %mul3A_991 : f32 to vector<16xf32>
        %mul3A_993 = arith.mulf %get3A_990, %mul3A_992 : vector<16xf32>
        %swap3A_994 = arith.constant 15 : i32
        %swap3A_995 = arith.index_cast %scan3A_39 : i32 to index
        %swap3A_996 = arith.index_cast %swap3A_994 : i32 to index
        %swap3A_997 = arith.constant 48 : index
        %swap3A_998 = tpu.vector_load %arg8[%swap3A_995, %swap3A_996, %swap3A_997] {strides = array<i32>} : memref<32x20x64xf32, #tpu.memory_space<vmem>>, vector<16xf32>,
        tpu.vector_store %arg8[%swap3A_995, %swap3A_996, %swap3A_997], %mul3A_993 {strides = array<i32>} : memref<32x20x64xf32, #tpu.memory_space<vmem>>, vector<16xf32>,
        %mul3A_999 = arith.constant 20 : i32
        %mul3A_1000 = arith.muli %scan3A_39, %mul3A_999 : i32
        %add3A_1001 = arith.constant 16 : i32
        %add3A_1002 = arith.addi %mul3A_1000, %add3A_1001 : i32
        %get3A_1003 = arith.index_cast %add3A_1002 : i32 to index
        %get3A_1004 = arith.constant 0 : index
        %get3A_1005 = tpu.vector_load %arg7[%get3A_1003, %get3A_1004] {strides = array<i32>} : memref<640x64xf32, #tpu.memory_space<vmem>>, vector<16xf32>,
        %mul3A_1006 = arith.constant 8.000000e+00 : f32
        %mul3A_1007 = vector.broadcast %mul3A_1006 : f32 to vector<16xf32>
        %mul3A_1008 = arith.mulf %get3A_1005, %mul3A_1007 : vector<16xf32>
        %swap3A_1009 = arith.constant 16 : i32
        %swap3A_1010 = arith.index_cast %scan3A_39 : i32 to index
        %swap3A_1011 = arith.index_cast %swap3A_1009 : i32 to index
        %swap3A_1012 = arith.constant 0 : index
        %swap3A_1013 = tpu.vector_load %arg8[%swap3A_1010, %swap3A_1011, %swap3A_1012] {strides = array<i32>} : memref<32x20x64xf32, #tpu.memory_space<vmem>>, vector<16xf32>,
        tpu.vector_store %arg8[%swap3A_1010, %swap3A_1011, %swap3A_1012], %mul3A_1008 {strides = array<i32>} : memref<32x20x64xf32, #tpu.memory_space<vmem>>, vector<16xf32>,
        %mul3A_1014 = arith.constant 20 : i32
        %mul3A_1015 = arith.muli %scan3A_39, %mul3A_1014 : i32
        %add3A_1016 = arith.constant 16 : i32
        %add3A_1017 = arith.addi %mul3A_1015, %add3A_1016 : i32
        %get3A_1018 = arith.index_cast %add3A_1017 : i32 to index
        %get3A_1019 = arith.constant 16 : index
        %get3A_1020 = tpu.vector_load %arg7[%get3A_1018, %get3A_1019] {strides = array<i32>} : memref<640x64xf32, #tpu.memory_space<vmem>>, vector<16xf32>,
        %mul3A_1021 = arith.constant 8.000000e+00 : f32
        %mul3A_1022 = vector.broadcast %mul3A_1021 : f32 to vector<16xf32>
        %mul3A_1023 = arith.mulf %get3A_1020, %mul3A_1022 : vector<16xf32>
        %swap3A_1024 = arith.constant 16 : i32
        %swap3A_1025 = arith.index_cast %scan3A_39 : i32 to index
        %swap3A_1026 = arith.index_cast %swap3A_1024 : i32 to index
        %swap3A_1027 = arith.constant 16 : index
        %swap3A_1028 = tpu.vector_load %arg8[%swap3A_1025, %swap3A_1026, %swap3A_1027] {strides = array<i32>} : memref<32x20x64xf32, #tpu.memory_space<vmem>>, vector<16xf32>,
        tpu.vector_store %arg8[%swap3A_1025, %swap3A_1026, %swap3A_1027], %mul3A_1023 {strides = array<i32>} : memref<32x20x64xf32, #tpu.memory_space<vmem>>, vector<16xf32>,
        %mul3A_1029 = arith.constant 20 : i32
        %mul3A_1030 = arith.muli %scan3A_39, %mul3A_1029 : i32
        %add3A_1031 = arith.constant 16 : i32
        %add3A_1032 = arith.addi %mul3A_1030, %add3A_1031 : i32
        %get3A_1033 = arith.index_cast %add3A_1032 : i32 to index
        %get3A_1034 = arith.constant 32 : index
        %get3A_1035 = tpu.vector_load %arg7[%get3A_1033, %get3A_1034] {strides = array<i32>} : memref<640x64xf32, #tpu.memory_space<vmem>>, vector<16xf32>,
        %mul3A_1036 = arith.constant 8.000000e+00 : f32
        %mul3A_1037 = vector.broadcast %mul3A_1036 : f32 to vector<16xf32>
        %mul3A_1038 = arith.mulf %get3A_1035, %mul3A_1037 : vector<16xf32>
        %swap3A_1039 = arith.constant 16 : i32
        %swap3A_1040 = arith.index_cast %scan3A_39 : i32 to index
        %swap3A_1041 = arith.index_cast %swap3A_1039 : i32 to index
        %swap3A_1042 = arith.constant 32 : index
        %swap3A_1043 = tpu.vector_load %arg8[%swap3A_1040, %swap3A_1041, %swap3A_1042] {strides = array<i32>} : memref<32x20x64xf32, #tpu.memory_space<vmem>>, vector<16xf32>,
        tpu.vector_store %arg8[%swap3A_1040, %swap3A_1041, %swap3A_1042], %mul3A_1038 {strides = array<i32>} : memref<32x20x64xf32, #tpu.memory_space<vmem>>, vector<16xf32>,
        %mul3A_1044 = arith.constant 20 : i32
        %mul3A_1045 = arith.muli %scan3A_39, %mul3A_1044 : i32
        %add3A_1046 = arith.constant 16 : i32
        %add3A_1047 = arith.addi %mul3A_1045, %add3A_1046 : i32
        %get3A_1048 = arith.index_cast %add3A_1047 : i32 to index
        %get3A_1049 = arith.constant 48 : index
        %get3A_1050 = tpu.vector_load %arg7[%get3A_1048, %get3A_1049] {strides = array<i32>} : memref<640x64xf32, #tpu.memory_space<vmem>>, vector<16xf32>,
        %mul3A_1051 = arith.constant 8.000000e+00 : f32
        %mul3A_1052 = vector.broadcast %mul3A_1051 : f32 to vector<16xf32>
        %mul3A_1053 = arith.mulf %get3A_1050, %mul3A_1052 : vector<16xf32>
        %swap3A_1054 = arith.constant 16 : i32
        %swap3A_1055 = arith.index_cast %scan3A_39 : i32 to index
        %swap3A_1056 = arith.index_cast %swap3A_1054 : i32 to index
        %swap3A_1057 = arith.constant 48 : index
        %swap3A_1058 = tpu.vector_load %arg8[%swap3A_1055, %swap3A_1056, %swap3A_1057] {strides = array<i32>} : memref<32x20x64xf32, #tpu.memory_space<vmem>>, vector<16xf32>,
        tpu.vector_store %arg8[%swap3A_1055, %swap3A_1056, %swap3A_1057], %mul3A_1053 {strides = array<i32>} : memref<32x20x64xf32, #tpu.memory_space<vmem>>, vector<16xf32>,
        %mul3A_1059 = arith.constant 20 : i32
        %mul3A_1060 = arith.muli %scan3A_39, %mul3A_1059 : i32
        %add3A_1061 = arith.constant 17 : i32
        %add3A_1062 = arith.addi %mul3A_1060, %add3A_1061 : i32
        %get3A_1063 = arith.index_cast %add3A_1062 : i32 to index
        %get3A_1064 = arith.constant 0 : index
        %get3A_1065 = tpu.vector_load %arg7[%get3A_1063, %get3A_1064] {strides = array<i32>} : memref<640x64xf32, #tpu.memory_space<vmem>>, vector<16xf32>,
        %mul3A_1066 = arith.constant 8.000000e+00 : f32
        %mul3A_1067 = vector.broadcast %mul3A_1066 : f32 to vector<16xf32>
        %mul3A_1068 = arith.mulf %get3A_1065, %mul3A_1067 : vector<16xf32>
        %swap3A_1069 = arith.constant 17 : i32
        %swap3A_1070 = arith.index_cast %scan3A_39 : i32 to index
        %swap3A_1071 = arith.index_cast %swap3A_1069 : i32 to index
        %swap3A_1072 = arith.constant 0 : index
        %swap3A_1073 = tpu.vector_load %arg8[%swap3A_1070, %swap3A_1071, %swap3A_1072] {strides = array<i32>} : memref<32x20x64xf32, #tpu.memory_space<vmem>>, vector<16xf32>,
        tpu.vector_store %arg8[%swap3A_1070, %swap3A_1071, %swap3A_1072], %mul3A_1068 {strides = array<i32>} : memref<32x20x64xf32, #tpu.memory_space<vmem>>, vector<16xf32>,
        %mul3A_1074 = arith.constant 20 : i32
        %mul3A_1075 = arith.muli %scan3A_39, %mul3A_1074 : i32
        %add3A_1076 = arith.constant 17 : i32
        %add3A_1077 = arith.addi %mul3A_1075, %add3A_1076 : i32
        %get3A_1078 = arith.index_cast %add3A_1077 : i32 to index
        %get3A_1079 = arith.constant 16 : index
        %get3A_1080 = tpu.vector_load %arg7[%get3A_1078, %get3A_1079] {strides = array<i32>} : memref<640x64xf32, #tpu.memory_space<vmem>>, vector<16xf32>,
        %mul3A_1081 = arith.constant 8.000000e+00 : f32
        %mul3A_1082 = vector.broadcast %mul3A_1081 : f32 to vector<16xf32>
        %mul3A_1083 = arith.mulf %get3A_1080, %mul3A_1082 : vector<16xf32>
        %swap3A_1084 = arith.constant 17 : i32
        %swap3A_1085 = arith.index_cast %scan3A_39 : i32 to index
        %swap3A_1086 = arith.index_cast %swap3A_1084 : i32 to index
        %swap3A_1087 = arith.constant 16 : index
        %swap3A_1088 = tpu.vector_load %arg8[%swap3A_1085, %swap3A_1086, %swap3A_1087] {strides = array<i32>} : memref<32x20x64xf32, #tpu.memory_space<vmem>>, vector<16xf32>,
        tpu.vector_store %arg8[%swap3A_1085, %swap3A_1086, %swap3A_1087], %mul3A_1083 {strides = array<i32>} : memref<32x20x64xf32, #tpu.memory_space<vmem>>, vector<16xf32>,
        %mul3A_1089 = arith.constant 20 : i32
        %mul3A_1090 = arith.muli %scan3A_39, %mul3A_1089 : i32
        %add3A_1091 = arith.constant 17 : i32
        %add3A_1092 = arith.addi %mul3A_1090, %add3A_1091 : i32
        %get3A_1093 = arith.index_cast %add3A_1092 : i32 to index
        %get3A_1094 = arith.constant 32 : index
        %get3A_1095 = tpu.vector_load %arg7[%get3A_1093, %get3A_1094] {strides = array<i32>} : memref<640x64xf32, #tpu.memory_space<vmem>>, vector<16xf32>,
        %mul3A_1096 = arith.constant 8.000000e+00 : f32
        %mul3A_1097 = vector.broadcast %mul3A_1096 : f32 to vector<16xf32>
        %mul3A_1098 = arith.mulf %get3A_1095, %mul3A_1097 : vector<16xf32>
        %swap3A_1099 = arith.constant 17 : i32
        %swap3A_1100 = arith.index_cast %scan3A_39 : i32 to index
        %swap3A_1101 = arith.index_cast %swap3A_1099 : i32 to index
        %swap3A_1102 = arith.constant 32 : index
        %swap3A_1103 = tpu.vector_load %arg8[%swap3A_1100, %swap3A_1101, %swap3A_1102] {strides = array<i32>} : memref<32x20x64xf32, #tpu.memory_space<vmem>>, vector<16xf32>,
        tpu.vector_store %arg8[%swap3A_1100, %swap3A_1101, %swap3A_1102], %mul3A_1098 {strides = array<i32>} : memref<32x20x64xf32, #tpu.memory_space<vmem>>, vector<16xf32>,
        %mul3A_1104 = arith.constant 20 : i32
        %mul3A_1105 = arith.muli %scan3A_39, %mul3A_1104 : i32
        %add3A_1106 = arith.constant 17 : i32
        %add3A_1107 = arith.addi %mul3A_1105, %add3A_1106 : i32
        %get3A_1108 = arith.index_cast %add3A_1107 : i32 to index
        %get3A_1109 = arith.constant 48 : index
        %get3A_1110 = tpu.vector_load %arg7[%get3A_1108, %get3A_1109] {strides = array<i32>} : memref<640x64xf32, #tpu.memory_space<vmem>>, vector<16xf32>,
        %mul3A_1111 = arith.constant 8.000000e+00 : f32
        %mul3A_1112 = vector.broadcast %mul3A_1111 : f32 to vector<16xf32>
        %mul3A_1113 = arith.mulf %get3A_1110, %mul3A_1112 : vector<16xf32>
        %swap3A_1114 = arith.constant 17 : i32
        %swap3A_1115 = arith.index_cast %scan3A_39 : i32 to index
        %swap3A_1116 = arith.index_cast %swap3A_1114 : i32 to index
        %swap3A_1117 = arith.constant 48 : index
        %swap3A_1118 = tpu.vector_load %arg8[%swap3A_1115, %swap3A_1116, %swap3A_1117] {strides = array<i32>} : memref<32x20x64xf32, #tpu.memory_space<vmem>>, vector<16xf32>,
        tpu.vector_store %arg8[%swap3A_1115, %swap3A_1116, %swap3A_1117], %mul3A_1113 {strides = array<i32>} : memref<32x20x64xf32, #tpu.memory_space<vmem>>, vector<16xf32>,
        %mul3A_1119 = arith.constant 20 : i32
        %mul3A_1120 = arith.muli %scan3A_39, %mul3A_1119 : i32
        %add3A_1121 = arith.constant 18 : i32
        %add3A_1122 = arith.addi %mul3A_1120, %add3A_1121 : i32
        %get3A_1123 = arith.index_cast %add3A_1122 : i32 to index
        %get3A_1124 = arith.constant 0 : index
        %get3A_1125 = tpu.vector_load %arg7[%get3A_1123, %get3A_1124] {strides = array<i32>} : memref<640x64xf32, #tpu.memory_space<vmem>>, vector<16xf32>,
        %mul3A_1126 = arith.constant 8.000000e+00 : f32
        %mul3A_1127 = vector.broadcast %mul3A_1126 : f32 to vector<16xf32>
        %mul3A_1128 = arith.mulf %get3A_1125, %mul3A_1127 : vector<16xf32>
        %swap3A_1129 = arith.constant 18 : i32
        %swap3A_1130 = arith.index_cast %scan3A_39 : i32 to index
        %swap3A_1131 = arith.index_cast %swap3A_1129 : i32 to index
        %swap3A_1132 = arith.constant 0 : index
        %swap3A_1133 = tpu.vector_load %arg8[%swap3A_1130, %swap3A_1131, %swap3A_1132] {strides = array<i32>} : memref<32x20x64xf32, #tpu.memory_space<vmem>>, vector<16xf32>,
        tpu.vector_store %arg8[%swap3A_1130, %swap3A_1131, %swap3A_1132], %mul3A_1128 {strides = array<i32>} : memref<32x20x64xf32, #tpu.memory_space<vmem>>, vector<16xf32>,
        %mul3A_1134 = arith.constant 20 : i32
        %mul3A_1135 = arith.muli %scan3A_39, %mul3A_1134 : i32
        %add3A_1136 = arith.constant 18 : i32
        %add3A_1137 = arith.addi %mul3A_1135, %add3A_1136 : i32
        %get3A_1138 = arith.index_cast %add3A_1137 : i32 to index
        %get3A_1139 = arith.constant 16 : index
        %get3A_1140 = tpu.vector_load %arg7[%get3A_1138, %get3A_1139] {strides = array<i32>} : memref<640x64xf32, #tpu.memory_space<vmem>>, vector<16xf32>,
        %mul3A_1141 = arith.constant 8.000000e+00 : f32
        %mul3A_1142 = vector.broadcast %mul3A_1141 : f32 to vector<16xf32>
        %mul3A_1143 = arith.mulf %get3A_1140, %mul3A_1142 : vector<16xf32>
        %swap3A_1144 = arith.constant 18 : i32
        %swap3A_1145 = arith.index_cast %scan3A_39 : i32 to index
        %swap3A_1146 = arith.index_cast %swap3A_1144 : i32 to index
        %swap3A_1147 = arith.constant 16 : index
        %swap3A_1148 = tpu.vector_load %arg8[%swap3A_1145, %swap3A_1146, %swap3A_1147] {strides = array<i32>} : memref<32x20x64xf32, #tpu.memory_space<vmem>>, vector<16xf32>,
        tpu.vector_store %arg8[%swap3A_1145, %swap3A_1146, %swap3A_1147], %mul3A_1143 {strides = array<i32>} : memref<32x20x64xf32, #tpu.memory_space<vmem>>, vector<16xf32>,
        %mul3A_1149 = arith.constant 20 : i32
        %mul3A_1150 = arith.muli %scan3A_39, %mul3A_1149 : i32
        %add3A_1151 = arith.constant 18 : i32
        %add3A_1152 = arith.addi %mul3A_1150, %add3A_1151 : i32
        %get3A_1153 = arith.index_cast %add3A_1152 : i32 to index
        %get3A_1154 = arith.constant 32 : index
        %get3A_1155 = tpu.vector_load %arg7[%get3A_1153, %get3A_1154] {strides = array<i32>} : memref<640x64xf32, #tpu.memory_space<vmem>>, vector<16xf32>,
        %mul3A_1156 = arith.constant 8.000000e+00 : f32
        %mul3A_1157 = vector.broadcast %mul3A_1156 : f32 to vector<16xf32>
        %mul3A_1158 = arith.mulf %get3A_1155, %mul3A_1157 : vector<16xf32>
        %swap3A_1159 = arith.constant 18 : i32
        %swap3A_1160 = arith.index_cast %scan3A_39 : i32 to index
        %swap3A_1161 = arith.index_cast %swap3A_1159 : i32 to index
        %swap3A_1162 = arith.constant 32 : index
        %swap3A_1163 = tpu.vector_load %arg8[%swap3A_1160, %swap3A_1161, %swap3A_1162] {strides = array<i32>} : memref<32x20x64xf32, #tpu.memory_space<vmem>>, vector<16xf32>,
        tpu.vector_store %arg8[%swap3A_1160, %swap3A_1161, %swap3A_1162], %mul3A_1158 {strides = array<i32>} : memref<32x20x64xf32, #tpu.memory_space<vmem>>, vector<16xf32>,
        %mul3A_1164 = arith.constant 20 : i32
        %mul3A_1165 = arith.muli %scan3A_39, %mul3A_1164 : i32
        %add3A_1166 = arith.constant 18 : i32
        %add3A_1167 = arith.addi %mul3A_1165, %add3A_1166 : i32
        %get3A_1168 = arith.index_cast %add3A_1167 : i32 to index
        %get3A_1169 = arith.constant 48 : index
        %get3A_1170 = tpu.vector_load %arg7[%get3A_1168, %get3A_1169] {strides = array<i32>} : memref<640x64xf32, #tpu.memory_space<vmem>>, vector<16xf32>,
        %mul3A_1171 = arith.constant 8.000000e+00 : f32
        %mul3A_1172 = vector.broadcast %mul3A_1171 : f32 to vector<16xf32>
        %mul3A_1173 = arith.mulf %get3A_1170, %mul3A_1172 : vector<16xf32>
        %swap3A_1174 = arith.constant 18 : i32
        %swap3A_1175 = arith.index_cast %scan3A_39 : i32 to index
        %swap3A_1176 = arith.index_cast %swap3A_1174 : i32 to index
        %swap3A_1177 = arith.constant 48 : index
        %swap3A_1178 = tpu.vector_load %arg8[%swap3A_1175, %swap3A_1176, %swap3A_1177] {strides = array<i32>} : memref<32x20x64xf32, #tpu.memory_space<vmem>>, vector<16xf32>,
        tpu.vector_store %arg8[%swap3A_1175, %swap3A_1176, %swap3A_1177], %mul3A_1173 {strides = array<i32>} : memref<32x20x64xf32, #tpu.memory_space<vmem>>, vector<16xf32>,
        %mul3A_1179 = arith.constant 20 : i32
        %mul3A_1180 = arith.muli %scan3A_39, %mul3A_1179 : i32
        %add3A_1181 = arith.constant 19 : i32
        %add3A_1182 = arith.addi %mul3A_1180, %add3A_1181 : i32
        %get3A_1183 = arith.index_cast %add3A_1182 : i32 to index
        %get3A_1184 = arith.constant 0 : index
        %get3A_1185 = tpu.vector_load %arg7[%get3A_1183, %get3A_1184] {strides = array<i32>} : memref<640x64xf32, #tpu.memory_space<vmem>>, vector<16xf32>,
        %mul3A_1186 = arith.constant 8.000000e+00 : f32
        %mul3A_1187 = vector.broadcast %mul3A_1186 : f32 to vector<16xf32>
        %mul3A_1188 = arith.mulf %get3A_1185, %mul3A_1187 : vector<16xf32>
        %swap3A_1189 = arith.constant 19 : i32
        %swap3A_1190 = arith.index_cast %scan3A_39 : i32 to index
        %swap3A_1191 = arith.index_cast %swap3A_1189 : i32 to index
        %swap3A_1192 = arith.constant 0 : index
        %swap3A_1193 = tpu.vector_load %arg8[%swap3A_1190, %swap3A_1191, %swap3A_1192] {strides = array<i32>} : memref<32x20x64xf32, #tpu.memory_space<vmem>>, vector<16xf32>,
        tpu.vector_store %arg8[%swap3A_1190, %swap3A_1191, %swap3A_1192], %mul3A_1188 {strides = array<i32>} : memref<32x20x64xf32, #tpu.memory_space<vmem>>, vector<16xf32>,
        %mul3A_1194 = arith.constant 20 : i32
        %mul3A_1195 = arith.muli %scan3A_39, %mul3A_1194 : i32
        %add3A_1196 = arith.constant 19 : i32
        %add3A_1197 = arith.addi %mul3A_1195, %add3A_1196 : i32
        %get3A_1198 = arith.index_cast %add3A_1197 : i32 to index
        %get3A_1199 = arith.constant 16 : index
        %get3A_1200 = tpu.vector_load %arg7[%get3A_1198, %get3A_1199] {strides = array<i32>} : memref<640x64xf32, #tpu.memory_space<vmem>>, vector<16xf32>,
        %mul3A_1201 = arith.constant 8.000000e+00 : f32
        %mul3A_1202 = vector.broadcast %mul3A_1201 : f32 to vector<16xf32>
        %mul3A_1203 = arith.mulf %get3A_1200, %mul3A_1202 : vector<16xf32>
        %swap3A_1204 = arith.constant 19 : i32
        %swap3A_1205 = arith.index_cast %scan3A_39 : i32 to index
        %swap3A_1206 = arith.index_cast %swap3A_1204 : i32 to index
        %swap3A_1207 = arith.constant 16 : index
        %swap3A_1208 = tpu.vector_load %arg8[%swap3A_1205, %swap3A_1206, %swap3A_1207] {strides = array<i32>} : memref<32x20x64xf32, #tpu.memory_space<vmem>>, vector<16xf32>,
        tpu.vector_store %arg8[%swap3A_1205, %swap3A_1206, %swap3A_1207], %mul3A_1203 {strides = array<i32>} : memref<32x20x64xf32, #tpu.memory_space<vmem>>, vector<16xf32>,
        %mul3A_1209 = arith.constant 20 : i32
        %mul3A_1210 = arith.muli %scan3A_39, %mul3A_1209 : i32
        %add3A_1211 = arith.constant 19 : i32
        %add3A_1212 = arith.addi %mul3A_1210, %add3A_1211 : i32
        %get3A_1213 = arith.index_cast %add3A_1212 : i32 to index
        %get3A_1214 = arith.constant 32 : index
        %get3A_1215 = tpu.vector_load %arg7[%get3A_1213, %get3A_1214] {strides = array<i32>} : memref<640x64xf32, #tpu.memory_space<vmem>>, vector<16xf32>,
        %mul3A_1216 = arith.constant 8.000000e+00 : f32
        %mul3A_1217 = vector.broadcast %mul3A_1216 : f32 to vector<16xf32>
        %mul3A_1218 = arith.mulf %get3A_1215, %mul3A_1217 : vector<16xf32>
        %swap3A_1219 = arith.constant 19 : i32
        %swap3A_1220 = arith.index_cast %scan3A_39 : i32 to index
        %swap3A_1221 = arith.index_cast %swap3A_1219 : i32 to index
        %swap3A_1222 = arith.constant 32 : index
        %swap3A_1223 = tpu.vector_load %arg8[%swap3A_1220, %swap3A_1221, %swap3A_1222] {strides = array<i32>} : memref<32x20x64xf32, #tpu.memory_space<vmem>>, vector<16xf32>,
        tpu.vector_store %arg8[%swap3A_1220, %swap3A_1221, %swap3A_1222], %mul3A_1218 {strides = array<i32>} : memref<32x20x64xf32, #tpu.memory_space<vmem>>, vector<16xf32>,
        %mul3A_1224 = arith.constant 20 : i32
        %mul3A_1225 = arith.muli %scan3A_39, %mul3A_1224 : i32
        %add3A_1226 = arith.constant 19 : i32
        %add3A_1227 = arith.addi %mul3A_1225, %add3A_1226 : i32
        %get3A_1228 = arith.index_cast %add3A_1227 : i32 to index
        %get3A_1229 = arith.constant 48 : index
        %get3A_1230 = tpu.vector_load %arg7[%get3A_1228, %get3A_1229] {strides = array<i32>} : memref<640x64xf32, #tpu.memory_space<vmem>>, vector<16xf32>,
        %mul3A_1231 = arith.constant 8.000000e+00 : f32
        %mul3A_1232 = vector.broadcast %mul3A_1231 : f32 to vector<16xf32>
        %mul3A_1233 = arith.mulf %get3A_1230, %mul3A_1232 : vector<16xf32>
        %swap3A_1234 = arith.constant 19 : i32
        %swap3A_1235 = arith.index_cast %scan3A_39 : i32 to index
        %swap3A_1236 = arith.index_cast %swap3A_1234 : i32 to index
        %swap3A_1237 = arith.constant 48 : index
        %swap3A_1238 = tpu.vector_load %arg8[%swap3A_1235, %swap3A_1236, %swap3A_1237] {strides = array<i32>} : memref<32x20x64xf32, #tpu.memory_space<vmem>>, vector<16xf32>,
        tpu.vector_store %arg8[%swap3A_1235, %swap3A_1236, %swap3A_1237], %mul3A_1233 {strides = array<i32>} : memref<32x20x64xf32, #tpu.memory_space<vmem>>, vector<16xf32>,
        %scan3A_1239 = arith.constant 0 : i32
        scf.yield %scan3A_1239 : i32
      }
      %scan3A_32 = arith.constant 32 : i32
      %mul3A_33 = arith.constant 512 : i32
      %mul3A_34 = arith.muli %add3A, %mul3A_33 : i32
      %mul3A_35 = arith.constant 32 : i32
      %mul3A_36 = arith.muli %scan3A_16, %mul3A_35 : i32
      %add3A_37 = arith.addi %mul3A_34, %mul3A_36 : i32
      "tpu.region"() ({
        %run_scoped3A = tpu.sem_alloc : memref<!tpu.dma_semaphore, #tpu.memory_space<semaphore_mem>>
        %dma_start3A_39 = arith.constant 0 : i32
        %dma_start3A_40 = arith.constant 0 : i32
        %dma_start3A_41 = tpu.memref_slice %arg4[%add3A_37, %dma_start3A_39, %dma_start3A_40] : memref<16384x20x64xf32, #tpu.memory_space<hbm>> -> memref<32x20x64xf32, #tpu.memory_space<hbm>>
        %dma_start3A_42 = arith.constant 0 : i32
        %dma_start3A_43 = arith.constant 0 : i32
        %dma_start3A_44 = tpu.memref_slice %arg4[%add3A_37, %dma_start3A_42, %dma_start3A_43] : memref<16384x20x64xf32, #tpu.memory_space<hbm>> -> memref<32x20x64xf32, #tpu.memory_space<hbm>>
        tpu.enqueue_dma source(%arg8 : memref<32x20x64xf32, #tpu.memory_space<vmem>>) target(%dma_start3A_44 : memref<32x20x64xf32, #tpu.memory_space<hbm>>) target_semaphore(%run_scoped3A : memref<!tpu.dma_semaphore, #tpu.memory_space<semaphore_mem>>)
        %dma_wait3A_45 = arith.constant 0 : i32
        %dma_wait3A_46 = arith.constant 0 : i32
        %dma_wait3A_47 = tpu.memref_slice %arg4[%add3A_37, %dma_wait3A_45, %dma_wait3A_46] : memref<16384x20x64xf32, #tpu.memory_space<hbm>> -> memref<32x20x64xf32, #tpu.memory_space<hbm>>
        %dma_wait3A_48 = arith.constant 0 : i32
        %dma_wait3A_49 = arith.constant 0 : i32
        %dma_wait3A_50 = tpu.memref_slice %arg4[%add3A_37, %dma_wait3A_48, %dma_wait3A_49] : memref<16384x20x64xf32, #tpu.memory_space<hbm>> -> memref<32x20x64xf32, #tpu.memory_space<hbm>>
        tpu.wait_dma2 semaphore(%run_scoped3A : memref<!tpu.dma_semaphore, #tpu.memory_space<semaphore_mem>>) src(%arg8 : memref<32x20x64xf32, #tpu.memory_space<vmem>>) dst(%dma_wait3A_50 : memref<32x20x64xf32, #tpu.memory_space<hbm>>)
        tpu.yield
      }) : () -> ()
      %scan3A_38 = arith.constant 0 : i32
      scf.yield %scan3A_38 : i32
    }
    %scan3A_15 = arith.constant 16 : i32
    return
  }
}

</mosaic_0001>

<sc_bundles>
// kernel: kernel.3.cloned.1.call-start
scs
__scs_entry_jumppad:
0x0: {  	(pc) =	sbr.rel $0x88, $3  }
0x1: {  	(tag) =	ssettag $0x0;
	lr =	simm.s32 $0x1  }
0x2: {  	[smem:$0x3F9F] =	sst lr;
	_ =	strace $0xD0000000  }
0x3: {  	_ = 	snop  }
0x4: {  	_ = 	snop  }
0x5: {  	_ = 	snop  }
0x6: {  	_ = 	snop  }
0x7: {  	_ = 	snop  }
__scs_overlays_trampoline_lowered:
0x8: {  	[smem:$0x3FAE] =	sst s0  }
0x9: {  	[smem:$0x3FAF] =	sst s1  }
0xa: {  	[smem:$0x3FB0] =	sst s2  }
0xb: {  	[smem:$0x3FB1] =	sst s3  }
0xc: {  	[smem:$0x3FB2] =	sst s4  }
0xd: {  	[smem:$0x3FB3] =	sst s5  }
0xe: {  	[smem:$0x3FB4] =	sst s6  }
0xf: {  	[smem:$0x3FB5] =	sst s7  }
0x10: {  	[smem:$0x3FB6] =	sst s8  }
0x11: {  	[smem:$0x3FB7] =	sst s9;
	s0 =	simm.s32 @!p0 $0x0  }
0x12: {  	s1 =	sld [smem:$0x3F9D];
	s0 =	simm.s32 @p0 $0x1  }
0x13: {  	[smem:$0x3FB8] =	sst s0;
	s0 =	simm.s32 @!p1 $0x0  }
0x14: {  	s2 =	sld [smem:$0x3F9C];
	s0 =	simm.s32 @p1 $0x1  }
0x15: {  	[smem:$0x3FB9] =	sst s0;
	s0 =	simm.s32 @!p2 $0x0  }
0x16: {  	s3 =	sld [smem:$0x3FDB];
	s0 =	simm.s32 @p2 $0x1  }
0x17: {  	s4 =	simm.s32 $0x1BF5;
	[smem:$0x3FBB] =	sst s0  }
0x18: {  	s0 =	sld [smem:$0x3F9E];
	_ =	swait.ge [sflag:s4], $0x0  }
0x19: {  	s7 =	sld [smem:$0x3F9F]  }
0x1a: {  	s8 =	sadd.s32 $0xFFFFE003, lr  }
0x1b: {  	s9 =	sadd.s32 $0xFFFFFEF7, lr;
	s5 =	simm.s32 $0xFFFFFFFF;
	p2 =	slt.u32 s8, $0xFFFFF086  }
0x1c: {  	p1 =	slt.u32 s9, $0xF7A;
	s5 =	simm.s32 @!p2 $0x0  }
0x1d: {  	s5 =	simm.s32 @p1 $0x1;
	p0 =	seq.s32 s7, s2  }
0x1e: {  	s7 =	smul.u32 @!p0 $0xF7A, s2;
	p2 =	seq.s32 @!p0 s5, $0x0  }
0x1f: {  	s9 =	smul.u32 $0xF7A, s1;
	s8 =	simm.s32 @!p0 $0x1BF5;
	p2 =	por !p2, p0  }
0x20: {  	[sflag:s8] =	ssyncset.s32 @!p0 $0xFFFFF086;
	s6 =	sadd.s32 @!p0 s3, s7;
	s7 =	simm.s32 @!p0 $0x108  }
0x21: {  	s3 =	sadd.s32 s3, s9;
	s6 =	sadd.s32 @!p0 $0x88, s6;
	s7 =	simm.s32 @p2 $0x1082  }
0x22: {  	[simem:s7], [sflag:s8] =	dma.local @!p0 [hbm:s6], $0xF7A  }
0x23: {  	s9 =	sor.u32 $0xD0000000, s2;
	s6 =	simm.s32 $0x108;
	_ =	swait.ge @!p0 [sflag:s8], $0x0  }
0x24: {  	s3 =	sadd.s32 $0x88, s3;
	s6 =	simm.s32 @!p1 $0x1082;
	[sflag:s4] =	ssyncset.s32 $0xFFFFF086  }
0x25: {  	[simem:s6], [sflag:s4] =	dma.local [hbm:s3], $0xF7A  }
0x26: {  	[smem:$0x3F9F] =	sst s1;
	(tag) =	ssettag s2;
	_ =	strace s9  }
0x27: {  	s1 =	sld [smem:$0x3FAF]  }
0x28: {  	s2 =	sld [smem:$0x3FB0]  }
0x29: {  	s4 =	sld [smem:$0x3FB2]  }
0x2a: {  	p0 =	seq.s32 s5, $0x0;
	s5 =	sld [smem:$0x3FB3]  }
0x2b: {  	s6 =	sld [smem:$0x3FB4]  }
0x2c: {  	s7 =	sld [smem:$0x3FB5]  }
0x2d: {  	s3 =	simm.s32 $0x108;
	s8 =	sld [smem:$0x3FB6]  }
0x2e: {  	s3 =	simm.s32 @!p0 $0x1082;
	s9 =	sld [smem:$0x3FB7]  }
0x2f: {  	lr =	sadd.s32 s0, s3;
	s0 =	sld [smem:$0x3FAE]  }
0x30: {  	s3 =	sld [smem:$0x3FB1]  }
0x31: {  	[smem:$0x3FBA] =	sst s10  }
0x32: {  	s10 =	sld [smem:$0x3FB8];
	_ =	sdelay $0x3  }
0x33: {  	p0 =	seq.s32 s10, $0x1;
	s10 =	sld [smem:$0x3FBA];
	_ =	sdelay $0x3  }
0x34: {  	[smem:$0x3FBA] =	sst s10  }
0x35: {  	s10 =	sld [smem:$0x3FB9];
	_ =	sdelay $0x3  }
0x36: {  	p1 =	seq.s32 s10, $0x1;
	s10 =	sld [smem:$0x3FBA];
	_ =	sdelay $0x3  }
0x37: {  	[smem:$0x3FBA] =	sst s10  }
0x38: {  	s10 =	sld [smem:$0x3FBB]  }
0x39: {  	_ = 	snop;
	(pc) =	sbr.ind lr, $3  }
0x3a: {  	_ = 	snop  }
0x3b: {  	_ = 	snop  }
0x3c: {  	p2 =	seq.s32 s10, $0x1;
	s10 =	sld [smem:$0x3FBA]  }
0x3d: {  	_ =	shalt  }
0x3e: {  	_ =	shalt  }
0x3f: {  	_ =	shalt  }
0x40: {  	_ =	shalt  }
0x41: {  	_ =	shalt  }
0x42: {  	_ =	shalt  }
0x43: {  	_ =	shalt  }
0x44: {  	_ =	shalt  }
0x45: {  	_ =	shalt  }
0x46: {  	_ =	shalt  }
0x47: {  	_ =	shalt  }
0x48: {  	_ =	shalt  }
0x49: {  	_ =	shalt  }
0x4a: {  	_ =	shalt  }
0x4b: {  	_ =	shalt  }
0x4c: {  	_ =	shalt  }
0x4d: {  	_ =	shalt  }
0x4e: {  	_ =	shalt  }
0x4f: {  	_ =	shalt  }
0x50: {  	_ =	shalt  }
0x51: {  	_ =	shalt  }
0x52: {  	_ =	shalt  }
0x53: {  	_ =	shalt  }
0x54: {  	_ =	shalt  }
0x55: {  	_ =	shalt  }
0x56: {  	_ =	shalt  }
0x57: {  	_ =	shalt  }
0x58: {  	_ =	shalt  }
0x59: {  	_ =	shalt  }
0x5a: {  	_ =	shalt  }
0x5b: {  	_ =	shalt  }
0x5c: {  	_ =	shalt  }
0x5d: {  	_ =	shalt  }
0x5e: {  	_ =	shalt  }
0x5f: {  	_ =	shalt  }
0x60: {  	_ =	shalt  }
0x61: {  	_ =	shalt  }
0x62: {  	_ =	shalt  }
0x63: {  	_ =	shalt  }
0x64: {  	_ =	shalt  }
0x65: {  	_ =	shalt  }
0x66: {  	_ =	shalt  }
0x67: {  	_ =	shalt  }
0x68: {  	_ =	shalt  }
0x69: {  	_ =	shalt  }
0x6a: {  	_ =	shalt  }
0x6b: {  	_ =	shalt  }
0x6c: {  	_ =	shalt  }
0x6d: {  	_ =	shalt  }
0x6e: {  	_ =	shalt  }
0x6f: {  	_ =	shalt  }
0x70: {  	_ =	shalt  }
0x71: {  	_ =	shalt  }
0x72: {  	_ =	shalt  }
0x73: {  	_ =	shalt  }
0x74: {  	_ =	shalt  }
0x75: {  	_ =	shalt  }
0x76: {  	_ =	shalt  }
0x77: {  	_ =	shalt  }
0x78: {  	_ =	shalt  }
0x79: {  	_ =	shalt  }
0x7a: {  	_ =	shalt  }
0x7b: {  	_ =	shalt  }
0x7c: {  	_ =	shalt  }
0x7d: {  	_ =	shalt  }
0x7e: {  	_ =	shalt  }
0x7f: {  	_ =	shalt  }
0x80: {  	_ =	shalt  }
0x81: {  	_ =	shalt  }
0x82: {  	_ =	shalt  }
0x83: {  	_ =	shalt  }
0x84: {  	_ =	shalt  }
0x85: {  	_ =	shalt  }
0x86: {  	_ =	shalt  }
0x87: {  	_ =	shalt  }
.Lfunc_end0:
.L_simem_size_0:
called_computation.1_lowered:
.L_overlay_start_0:
0x88: {  	s2 =	sld [smem:$0x3FD9]  }
0x89: {  	s3 =	sld [smem:$0x3FFE];
	_ =	sdelay $0x1  }
0x8a: {  	s1 =	srdreg.scid  }
0x8b: {  	s0 =	sand.u32 $0x1, s1  }
0x8c: {  	s17 =	sshll.u32 s0, $0xA;
	s2 =	sadd.s32 s3, s2  }
0x8d: {  	s2 =	sadd.s32 s2, s17  }
0x8e: {  	[smem:$0x3FC6] =	sst s2  }
0x8f: {  	_ = 	snop  }
0x90: {  	s2 =	sld [smem:$0x3FD0];
	(tm) =	ssettm $0x1  }
0x91: {  	s18 =	sld [smem:$0x3FFB];
	_ =	sdelay $0x3  }
0x92: {  	_ =	strace s18  }
0x93: {  	s3 =	sld [smem:$0x3FFC];
	_ =	sdelay $0x3  }
0x94: {  	_ =	strace s3  }
0x95: {  	s3 =	sld [smem:$0x3FFD];
	_ =	sdelay $0x3  }
0x96: {  	_ =	strace s3  }
0x97: {  	_ =	strace $0x8FFFFFFF  }
0x98: {  	s19 =	sld [smem:$0x3FDB];
	_ =	sdelay $0x1  }
0x99: {  	s4 =	simm.s32 $_scs_section_size  }
0x9a: {  	s5 =	simm.s32 $_size__tile_overlayer_lowered;
	s6 =	simm.s32 $_tile_overlayer_lowered  }
0x9b: {  	s22 =	simm.s32 $0x1BFF;
	s21 =	sshll.u32 s6, $0x1;
	s3 =	sadd.s32 s4, s19  }
0x9c: {  	s7 =	simm.s32 $0x0;
	s20 =	sshll.u32 s5, $0x1;
	s5 =	sadd.s32 s21, s3  }
0x9d: {  	[timem:s7], [sflag:s22] =	dma.local [hbm:s5], s20  }
0x9e: {  	_ =	swait.ge [sflag:s22], s20  }
0x9f: {  	s4 =	ssub.s32 $0x0, s20;
	[sflag:s22] =	ssyncset.done $0x0  }
0xa0: {  	[sflag:s22] =	ssyncadd.s32 s4;
	_ =	sdelay $0x1  }
0xa1: {  	s23 =	simm.s32 $0x1B8B  }
0xa2: {  	_ =	swait.ge [sflag:s23], $0x1  }
0xa3: {  	[sflag:s23] =	ssyncset.done $0x0  }
0xa4: {  	s25 =	simm.s32 $0x1B8E;
	s24 =	sld [smem:$0x3FFE];
	[sflag:s23] =	ssyncadd.s32 $0xFFFFFFFF  }
0xa5: {  	s26 =	simm.s32 $execute0_lowered;
	[smem:$0x3FD2] =	sst s25  }
0xa6: {  	s5 =	sshll.u32 s26, $0x1;
	_ =	strace $0x80000046;
	[dreg:$0x1] =	wrdreg $0xFFFFFFFF  }
0xa7: {  	s28 =	simm.s32 $_size_execute0_lowered;
	s3 =	sadd.s32 s3, s5;
	[dreg:$0x0] =	wrdreg $0x0  }
0xa8: {  	s5 =	sshll.u32 s28, $0x1;
	[dreg:$0x2] =	wrdreg s3  }
0xa9: {  	[dreg:$0x3] =	wrdreg s5  }
0xaa: {  	[dreg:$0x4] =	wrdreg $0xC0  }
0xab: {  	_ =	task [dreg:s7], $0x5FFFF  }
0xac: {  	[dreg:$0x1] =	wrdreg $0xFFFFFFFF  }
0xad: {  	[dreg:$0x0] =	wrdreg $0x60  }
0xae: {  	[dreg:$0x2] =	wrdreg s24  }
0xaf: {  	[dreg:$0x3] =	wrdreg s2  }
0xb0: {  	[dreg:$0x4] =	wrdreg $0x9  }
0xb1: {  	_ =	task.clear_ibuf [dreg:s7], $0x5FFFF;
	_ =	strace $0x90000046  }
0xb2: {  	s29 =	simm.s32 $0x9;
	_ =	strace $0x80000048  }
0xb3: {  	_ =	swait.ge [sflag:s29], $0x1  }
0xb4: {  	[sflag:s29] =	ssyncadd.s32 $0xFFFFFFFF  }
0xb5: {  	_ =	strace $0x90000048  }
0xb6: {  	_ =	sfence  }
0xb7: {  	s30 =	sld [smem:$0x0];
	_ =	sdelay $0x2  }
0xb8: {  	s31 =	sshll.u32 s1, $0xD;
	s1 =	sshrl.u32 s1, $0x2  }
0xb9: {  	s3 =	sand.u32 $0x4000, s31;
	s1 =	sadd.s32 s1, s30  }
0xba: {  	s0 =	sor.u32 s3, s0;
	s1 =	sshll.u32 s1, $0x11  }
0xbb: {  	s0 =	sor.u32 s1, s0  }
0xbc: {  	s0 =	sadd.s32 $0x8F2B, s0  }
0xbd: {  	[sflag:s0] =	ssyncadd.remote.s32 $0x1  }
0xbe: {  	_ =	sfence.sel $0xFFFF  }
0xbf: {  	[dreg:$0x0] =	wrdreg $0xFFFFFFFF;
	(pc) =	sbr.abs _section_cstart, $3  }
0xc0: {  	[dreg:$0x1] =	wrdreg $0xFFFFFFFF  }
0xc1: {  	_ =	task.clear_ibuf [dreg:s7], $0x2FFFF;
	_ =	strace $0x9FFFFFFF  }
0xc2: {  	(tm) =	ssettm $0x7FFFFFFF  }
0xc3: {  	_ =	shalt  }
tec
execute0_lowered:
.L_overlay_start_1:
0x0: {  	(tag) =	ssettag $0x1  }
0x1: {  	v0 =	vimm.s32 $0x1F1E1D1C;
	v1 =	vimm.s32 $0x23222120;
	v2 =	vimm.s32 $0x13121110  }
0x2: {  	v3 =	vimm.s32 $0x1B1A1918;
	vm0 =	vcmask $0x1F10;
	v4 =	vimm.s32 $0x37363534  }
0x3: {  	s1 =	srdreg.scid;
	v5 =	vimm.s32 $0x2B2A2928;
	v6 =	vimm.s32 $0x43424140;
	v7 =	vimm.s32 $0x4B4A4948  }
0x4: {  	s0 =	stileid.u32;
	s5 =	rddreg [dreg:$0x0];
	v8 =	vimm.s32 $0x3B3A3938;
	v0 =	vunpack.c.0.s8.s32 v0;
	v1 =	vunpack.c.0.s8.s32 v1  }
0x5: {  	s2 =	simm.s32 $0x0;
	v9 =	vimm.s32 $0x3F3E3D3C;
	s9 =	simm.s32 $0x280;
	s10 =	simm.s32 $0x5800;
	v2 =	vunpack.c.0.s8.s32 v2;
	v3 =	vunpack.c.0.s8.s32 v3  }
0x6: {  	s11 =	simm.s32 $0x1;
	s12 =	simm.s32 $0xF800;
	s4 =	sand.u32 $0x1, s1;
	v5 =	vunpack.c.0.s8.s32 v5;
	v0 =	vsel vm0, v1, v0;
	v1 =	vimm.s32 $0x33323130  }
0x7: {  	s13 =	simm.s32 $0x0;
	s3 =	sshll.u32 s0, $0xA;
	s6 =	sshll.u32 s4, $0x9;
	v2 =	vsel vm0, v3, v2;
	v3 =	vunpack.c.0.s8.s32 v4;
	v4 =	vimm.s32 $0x27262524  }
.Ltmp0:
0x8: {  	s1 =	rddreg [dreg:$0x1];
	v6 =	vunpack.c.0.s8.s32 v6;
	s3 =	sor.u32 s6, s3;
	v1 =	vunpack.c.0.s8.s32 v1;
	v4 =	vunpack.c.0.s8.s32 v4;
	(pc) =	sbr.rel .LBB2_1-.Ltmp0, $4  }
0x9: {  	[smem:$0x7FF] =	sst s2;
	v7 =	vunpack.c.0.s8.s32 v7;
	v8 =	vunpack.c.0.s8.s32 v8;
	v9 =	vunpack.c.0.s8.s32 v9;
	s7 =	ssub.s32 $0x2, s4;
	s6 =	smul.u32 $0x3, s3  }
0xa: {  	s4 =	rddreg [dreg:$0x2];
	_ =	strace $0x80000047;
	s8 =	sshrl.u32 s7, $0x1;
	v0 =	vcombine.low v2, v0;
	v2 =	vsel vm0, v3, v1;
	v3 =	vsel vm0, v5, v4  }
0xb: {  	s7 =	ssub.s32 s7, s8;
	s8 =	simm.s32 $0x2;
	s6 =	sadd.s32 s6, s5;
	v4 =	vsel vm0, v7, v6;
	v5 =	vsel vm0, v9, v8;
	v1 =	vlaneseq.u32  }
0xc: {  	s7 =	smax.u32 s7, $0x1;
	s5 =	sadd.s32 $0xF42E00, s5;
	s6 =	sadd.s32 $0xA00, s6;
	v2 =	vcombine.low v3, v2;
	v3 =	vcombine.low v5, v4;
	v4 =	vadd.s32 $0x4C, v1  }
.LBB2_9:
0xd: {  	s13 =	sadd.s32 $0x1, s13  }
0xe: {  	p0 =	sne.s32 s13, s7  }
.Ltmp1:
0xf: {  	_ = 	snop;
	(pc) =	sbr.rel @!p0 .LBB2_10-.Ltmp1, $1  }
0x10: {  	_ =	sdelay $0x3  }
.LBB2_1:
0x11: {  	v5 =	vmov s2  }
0x12: {  	v5 =	vmul.u32 $0x18, v5;
	_ =	sdelay $0x1  }
0x13: {  	v5 =	vbroadcast v5, $0x0;
	_ =	sdelay $0x1  }
0x14: {  	v6 =	vor.u32 v1, v5  }
0x15: {  	[tilespmem:s2], [sflag:$0x2] =	stream.linear.gather [hbm4b:s6+s2], $0x3000, $0x38;
	[tilespmem:$0x19800] =	vst v63  }
0x16: {  	_ =	swait.ge [sflag:s8], $0x3000  }
0x17: {  	[sflag:s8] =	ssyncset.done $0x0  }
0x18: {  	[sflag:s8] =	ssyncadd.s32 $0xFFFFD000  }
0x19: {  	v6 =	vld.idx.msk [tilespmem:v6+s2+$0x0], $0xffff  }
0x1a: {  	v7 =	vadd.s32 v0, v5;
	_ =	sdelay $0x2  }
0x1b: {  	s15 =	simm.s32 $0x3020  }
0x1c: {  	[tilespmem:s15+$0xFFFFFFE0] =	vst v6  }
0x1d: {  	v6 =	vld.idx.msk [tilespmem:v7+s2+$0x0], $0xffff  }
0x1e: {  	v7 =	vadd.s32 v2, v5;
	_ =	sdelay $0x3  }
0x1f: {  	[tilespmem:s15+$0xFFFFFFF0] =	vst v6  }
0x20: {  	v6 =	vld.idx.msk [tilespmem:v7+s2+$0x0], $0xffff  }
0x21: {  	v7 =	vadd.s32 v3, v5;
	_ =	sdelay $0x3  }
0x22: {  	[tilespmem:s15+$0x0] =	vst v6  }
0x23: {  	v6 =	vld.idx.msk [tilespmem:v7+s2+$0x0], $0xffff  }
0x24: {  	v5 =	vadd.s32 v4, v5  }
0x25: {  	s14 =	simm.s32 $0x4  }
0x26: {  	s16 =	simm.s32 $0x8;
	v7 =	vmov s14;
	s14 =	simm.s32 $0x0  }
.LBB2_2:
0x27: {  	p0 =	sne.s32 s16, $0x1FC;
	v7 =	vmul.u32 $0x18, v7  }
0x28: {  	[tilespmem:s15+$0x10] =	vst v6  }
0x29: {  	v7 =	vbroadcast v7, $0x0;
	v5 =	vld.idx.msk [tilespmem:v5+s14+$0x0], $0xffff;
	_ =	sdelay $0x1  }
0x2a: {  	v6 =	vor.u32 v1, v7;
	_ =	sdelay $0x3  }
0x2b: {  	s14 =	simm.s32 $0x0;
	[tilespmem:s15+$0x20] =	vst v5  }
0x2c: {  	v5 =	vld.idx.msk [tilespmem:v6+s14+$0x0], $0xffff;
	_ =	sdelay $0x1  }
0x2d: {  	v6 =	vadd.s32 v0, v7;
	_ =	sdelay $0x2  }
0x2e: {  	s15 =	sadd.s32 $0x50, s15  }
0x2f: {  	[tilespmem:s15+$0xFFFFFFE0] =	vst v5  }
0x30: {  	v5 =	vld.idx.msk [tilespmem:v6+s14+$0x0], $0xffff;
	_ =	sdelay $0x1  }
0x31: {  	v6 =	vadd.s32 v2, v7;
	_ =	sdelay $0x3  }
0x32: {  	[tilespmem:s15+$0xFFFFFFF0] =	vst v5  }
0x33: {  	v5 =	vld.idx.msk [tilespmem:v6+s14+$0x0], $0xffff;
	_ =	sdelay $0x1  }
0x34: {  	v6 =	vadd.s32 v3, v7;
	_ =	sdelay $0x3  }
0x35: {  	[tilespmem:s15+$0x0] =	vst v5  }
.Ltmp2:
0x36: {  	v6 =	vld.idx.msk [tilespmem:v6+s14+$0x0], $0xffff;
	(pc) =	sbr.rel @p0 .LBB2_2-.Ltmp2, $3  }
0x37: {  	_ = 	snop  }
0x38: {  	v5 =	vadd.s32 v4, v7;
	_ =	sdelay $0x1  }
0x39: {  	v7 =	vmov s16;
	s16 =	sadd.s32 $0x4, s16  }
0x3a: {  	_ = 	snop  }
0x3b: {  	v7 =	vmul.u32 $0x18, v7;
	_ =	sdelay $0x1  }
0x3c: {  	[tilespmem:s15+$0x10] =	vst v6;
	v6 =	vbroadcast v7, $0x0  }
0x3d: {  	v5 =	vld.idx.msk [tilespmem:v5+s14+$0x0], $0xffff  }
0x3e: {  	v7 =	vor.u32 v1, v6;
	_ =	sdelay $0x3  }
0x3f: {  	[tilespmem:s15+$0x20] =	vst v5  }
0x40: {  	v5 =	vld.idx.msk [tilespmem:v7+s14+$0x0], $0xffff  }
0x41: {  	v7 =	vadd.s32 v0, v6;
	_ =	sdelay $0x2  }
0x42: {  	s31 =	sadd.s32 $0x50, s15  }
0x43: {  	[tilespmem:s31+$0xFFFFFFE0] =	vst v5  }
0x44: {  	v5 =	vld.idx.msk [tilespmem:v7+s14+$0x0], $0xffff  }
0x45: {  	v7 =	vadd.s32 v2, v6;
	_ =	sdelay $0x3  }
0x46: {  	[tilespmem:s31+$0xFFFFFFF0] =	vst v5  }
0x47: {  	v5 =	vld.idx.msk [tilespmem:v7+s14+$0x0], $0xffff  }
0x48: {  	v7 =	vadd.s32 v3, v6;
	_ =	sdelay $0x3  }
0x49: {  	[tilespmem:s31+$0x0] =	vst v5  }
0x4a: {  	v5 =	vld.idx.msk [tilespmem:v7+s14+$0x0], $0xffff  }
0x4b: {  	v6 =	vadd.s32 v4, v6;
	_ =	sdelay $0x3  }
0x4c: {  	[tilespmem:s31+$0x10] =	vst v5  }
0x4d: {  	v5 =	vld.idx.msk [tilespmem:v6+s14+$0x0], $0xffff;
	_ =	sdelay $0x4  }
0x4e: {  	[tilespmem:s31+$0x20] =	vst v5  }
.LBB2_4:
0x4f: {  	s15 =	smul.u32 $0xA00, s14;
	_ =	sdelay $0x1  }
0x50: {  	p1 =	por $0x1, $0x1;
	s15 =	sshra.s32 s15, $0x2  }
.Ltmp3:
0x51: {  	s15 =	sadd.s32 $0x3000, s15;
	(pc) =	sbr.rel @!p1 .LBB2_5-.Ltmp3, $4  }
0x52: {  	[tilespmem:s10], [sflag:$0x1] =	stream.indirect.gather [hbm4b:s5+s9], $0x40, s15, s9, $0xb8;
	[tilespmem:$0x19800] =	vst v63  }
0x53: {  	_ =	swait.ge [sflag:s11], $0xA000  }
0x54: {  	[sflag:s11] =	ssyncset.done $0x0  }
0x55: {  	p0 =	por $0x0, $0x0;
	s15 =	simm.s32 $0x0;
	[sflag:s11] =	ssyncadd.s32 $0xFFFF6000  }
0x56: {  	v5 =	vld [tilespmem:s15+$0x5CF0]  }
0x57: {  	v6 =	vld [tilespmem:s15+$0x5800]  }
0x58: {  	v7 =	vld [tilespmem:s15+$0x5810]  }
0x59: {  	v8 =	vld [tilespmem:s15+$0x5820]  }
0x5a: {  	v9 =	vld [tilespmem:s15+$0x5830]  }
0x5b: {  	v10 =	vld [tilespmem:s15+$0x5840]  }
0x5c: {  	v11 =	vld [tilespmem:s15+$0x5850]  }
0x5d: {  	v5 =	vmul.f32 $8.000000000e+00, v5  }
0x5e: {  	v6 =	vmul.f32 $8.000000000e+00, v6  }
0x5f: {  	v12 =	vld [tilespmem:s15+$0x5860];
	[tilespmem:s15+$0xFCF0] =	vst v5;
	v5 =	vmul.f32 $8.000000000e+00, v7  }
0x60: {  	[tilespmem:s15+$0xF800] =	vst v6;
	v6 =	vld [tilespmem:s15+$0x5870];
	v7 =	vmul.f32 $8.000000000e+00, v8;
	v8 =	vmul.f32 $8.000000000e+00, v9  }
0x61: {  	v9 =	vmul.f32 $8.000000000e+00, v10;
	v10 =	vmul.f32 $8.000000000e+00, v11;
	[tilespmem:s15+$0xF810] =	vst v5;
	v5 =	vld [tilespmem:s15+$0x5880]  }
0x62: {  	[tilespmem:s15+$0xF820] =	vst v7;
	v7 =	vld [tilespmem:s15+$0x5890]  }
0x63: {  	[tilespmem:s15+$0xF850] =	vst v10;
	v10 =	vld [tilespmem:s15+$0x58C0]  }
0x64: {  	v11 =	vmul.f32 $8.000000000e+00, v12;
	[tilespmem:s15+$0xF830] =	vst v8;
	v8 =	vld [tilespmem:s15+$0x58A0]  }
0x65: {  	[tilespmem:s15+$0xF840] =	vst v9;
	v9 =	vld [tilespmem:s15+$0x58B0];
	v6 =	vmul.f32 $8.000000000e+00, v6  }
0x66: {  	[tilespmem:s15+$0xF860] =	vst v11;
	v11 =	vld [tilespmem:s15+$0x58D0];
	v5 =	vmul.f32 $8.000000000e+00, v5  }
0x67: {  	[tilespmem:s15+$0xF870] =	vst v6;
	v6 =	vld [tilespmem:s15+$0x58E0];
	v7 =	vmul.f32 $8.000000000e+00, v7  }
0x68: {  	v10 =	vmul.f32 $8.000000000e+00, v10;
	[tilespmem:s15+$0xF880] =	vst v5;
	v5 =	vld [tilespmem:s15+$0x58F0]  }
0x69: {  	v8 =	vmul.f32 $8.000000000e+00, v8;
	[tilespmem:s15+$0xF890] =	vst v7;
	v7 =	vld [tilespmem:s15+$0x5900]  }
0x6a: {  	v9 =	vmul.f32 $8.000000000e+00, v9;
	[tilespmem:s15+$0xF8C0] =	vst v10;
	v10 =	vld [tilespmem:s15+$0x5930]  }
0x6b: {  	v11 =	vmul.f32 $8.000000000e+00, v11;
	[tilespmem:s15+$0xF8A0] =	vst v8;
	v8 =	vld [tilespmem:s15+$0x5910]  }
0x6c: {  	[tilespmem:s15+$0xF8B0] =	vst v9;
	v9 =	vld [tilespmem:s15+$0x5920];
	v6 =	vmul.f32 $8.000000000e+00, v6  }
0x6d: {  	[tilespmem:s15+$0xF8D0] =	vst v11;
	v11 =	vld [tilespmem:s15+$0x5940];
	v5 =	vmul.f32 $8.000000000e+00, v5  }
0x6e: {  	[tilespmem:s15+$0xF8E0] =	vst v6;
	v6 =	vld [tilespmem:s15+$0x5950];
	v7 =	vmul.f32 $8.000000000e+00, v7  }
0x6f: {  	v10 =	vmul.f32 $8.000000000e+00, v10;
	[tilespmem:s15+$0xF8F0] =	vst v5;
	v5 =	vld [tilespmem:s15+$0x5960]  }
0x70: {  	v8 =	vmul.f32 $8.000000000e+00, v8;
	[tilespmem:s15+$0xF900] =	vst v7;
	v7 =	vld [tilespmem:s15+$0x5970]  }
0x71: {  	v9 =	vmul.f32 $8.000000000e+00, v9;
	[tilespmem:s15+$0xF930] =	vst v10;
	v10 =	vld [tilespmem:s15+$0x59A0]  }
0x72: {  	v11 =	vmul.f32 $8.000000000e+00, v11;
	[tilespmem:s15+$0xF910] =	vst v8;
	v8 =	vld [tilespmem:s15+$0x5980]  }
0x73: {  	[tilespmem:s15+$0xF920] =	vst v9;
	v9 =	vld [tilespmem:s15+$0x5990];
	v6 =	vmul.f32 $8.000000000e+00, v6  }
0x74: {  	[tilespmem:s15+$0xF940] =	vst v11;
	v11 =	vld [tilespmem:s15+$0x59B0];
	v5 =	vmul.f32 $8.000000000e+00, v5  }
0x75: {  	[tilespmem:s15+$0xF950] =	vst v6;
	v6 =	vld [tilespmem:s15+$0x59C0];
	v7 =	vmul.f32 $8.000000000e+00, v7  }
0x76: {  	v10 =	vmul.f32 $8.000000000e+00, v10;
	[tilespmem:s15+$0xF960] =	vst v5;
	v5 =	vld [tilespmem:s15+$0x59D0]  }
0x77: {  	v8 =	vmul.f32 $8.000000000e+00, v8;
	[tilespmem:s15+$0xF970] =	vst v7;
	v7 =	vld [tilespmem:s15+$0x59E0]  }
0x78: {  	v9 =	vmul.f32 $8.000000000e+00, v9;
	[tilespmem:s15+$0xF9A0] =	vst v10;
	v10 =	vld [tilespmem:s15+$0x5A10]  }
0x79: {  	v11 =	vmul.f32 $8.000000000e+00, v11;
	[tilespmem:s15+$0xF980] =	vst v8;
	v8 =	vld [tilespmem:s15+$0x59F0]  }
0x7a: {  	[tilespmem:s15+$0xF990] =	vst v9;
	v9 =	vld [tilespmem:s15+$0x5A00];
	v6 =	vmul.f32 $8.000000000e+00, v6  }
0x7b: {  	[tilespmem:s15+$0xF9B0] =	vst v11;
	v11 =	vld [tilespmem:s15+$0x5A20];
	v5 =	vmul.f32 $8.000000000e+00, v5  }
0x7c: {  	[tilespmem:s15+$0xF9C0] =	vst v6;
	v6 =	vld [tilespmem:s15+$0x5A30];
	v7 =	vmul.f32 $8.000000000e+00, v7  }
0x7d: {  	v10 =	vmul.f32 $8.000000000e+00, v10;
	[tilespmem:s15+$0xF9D0] =	vst v5;
	v5 =	vld [tilespmem:s15+$0x5A40]  }
0x7e: {  	v8 =	vmul.f32 $8.000000000e+00, v8;
	[tilespmem:s15+$0xF9E0] =	vst v7;
	v7 =	vld [tilespmem:s15+$0x5A50]  }
0x7f: {  	v9 =	vmul.f32 $8.000000000e+00, v9;
	[tilespmem:s15+$0xFA10] =	vst v10;
	v10 =	vld [tilespmem:s15+$0x5A80]  }
0x80: {  	v11 =	vmul.f32 $8.000000000e+00, v11;
	[tilespmem:s15+$0xF9F0] =	vst v8;
	v8 =	vld [tilespmem:s15+$0x5A60]  }
0x81: {  	[tilespmem:s15+$0xFA00] =	vst v9;
	v9 =	vld [tilespmem:s15+$0x5A70];
	v6 =	vmul.f32 $8.000000000e+00, v6  }
0x82: {  	[tilespmem:s15+$0xFA20] =	vst v11;
	v11 =	vld [tilespmem:s15+$0x5A90];
	v5 =	vmul.f32 $8.000000000e+00, v5  }
0x83: {  	[tilespmem:s15+$0xFA30] =	vst v6;
	v6 =	vld [tilespmem:s15+$0x5AA0];
	v7 =	vmul.f32 $8.000000000e+00, v7  }
0x84: {  	v10 =	vmul.f32 $8.000000000e+00, v10;
	[tilespmem:s15+$0xFA40] =	vst v5;
	v5 =	vld [tilespmem:s15+$0x5AB0]  }
0x85: {  	v8 =	vmul.f32 $8.000000000e+00, v8;
	[tilespmem:s15+$0xFA50] =	vst v7;
	v7 =	vld [tilespmem:s15+$0x5AC0]  }
0x86: {  	v9 =	vmul.f32 $8.000000000e+00, v9;
	[tilespmem:s15+$0xFA80] =	vst v10;
	v10 =	vld [tilespmem:s15+$0x5AF0]  }
0x87: {  	v11 =	vmul.f32 $8.000000000e+00, v11;
	[tilespmem:s15+$0xFA60] =	vst v8;
	v8 =	vld [tilespmem:s15+$0x5AD0]  }
0x88: {  	[tilespmem:s15+$0xFA70] =	vst v9;
	v9 =	vld [tilespmem:s15+$0x5AE0];
	v6 =	vmul.f32 $8.000000000e+00, v6  }
0x89: {  	[tilespmem:s15+$0xFA90] =	vst v11;
	v11 =	vld [tilespmem:s15+$0x5B00];
	v5 =	vmul.f32 $8.000000000e+00, v5  }
0x8a: {  	[tilespmem:s15+$0xFAA0] =	vst v6;
	v6 =	vld [tilespmem:s15+$0x5B10];
	v7 =	vmul.f32 $8.000000000e+00, v7  }
0x8b: {  	v10 =	vmul.f32 $8.000000000e+00, v10;
	[tilespmem:s15+$0xFAB0] =	vst v5;
	v5 =	vld [tilespmem:s15+$0x5B20]  }
0x8c: {  	v8 =	vmul.f32 $8.000000000e+00, v8;
	[tilespmem:s15+$0xFAC0] =	vst v7;
	v7 =	vld [tilespmem:s15+$0x5B30]  }
0x8d: {  	v9 =	vmul.f32 $8.000000000e+00, v9;
	[tilespmem:s15+$0xFAF0] =	vst v10;
	v10 =	vld [tilespmem:s15+$0x5B60]  }
0x8e: {  	v11 =	vmul.f32 $8.000000000e+00, v11;
	[tilespmem:s15+$0xFAD0] =	vst v8;
	v8 =	vld [tilespmem:s15+$0x5B40]  }
0x8f: {  	[tilespmem:s15+$0xFAE0] =	vst v9;
	v9 =	vld [tilespmem:s15+$0x5B50];
	v6 =	vmul.f32 $8.000000000e+00, v6  }
0x90: {  	[tilespmem:s15+$0xFB00] =	vst v11;
	v11 =	vld [tilespmem:s15+$0x5B70];
	v5 =	vmul.f32 $8.000000000e+00, v5  }
0x91: {  	[tilespmem:s15+$0xFB10] =	vst v6;
	v6 =	vld [tilespmem:s15+$0x5B80];
	v7 =	vmul.f32 $8.000000000e+00, v7  }
0x92: {  	v10 =	vmul.f32 $8.000000000e+00, v10;
	[tilespmem:s15+$0xFB20] =	vst v5;
	v5 =	vld [tilespmem:s15+$0x5B90]  }
0x93: {  	v8 =	vmul.f32 $8.000000000e+00, v8;
	[tilespmem:s15+$0xFB30] =	vst v7;
	v7 =	vld [tilespmem:s15+$0x5BA0]  }
0x94: {  	v9 =	vmul.f32 $8.000000000e+00, v9;
	[tilespmem:s15+$0xFB60] =	vst v10;
	v10 =	vld [tilespmem:s15+$0x5BD0]  }
0x95: {  	v11 =	vmul.f32 $8.000000000e+00, v11;
	[tilespmem:s15+$0xFB40] =	vst v8;
	v8 =	vld [tilespmem:s15+$0x5BB0]  }
0x96: {  	[tilespmem:s15+$0xFB50] =	vst v9;
	v9 =	vld [tilespmem:s15+$0x5BC0];
	v6 =	vmul.f32 $8.000000000e+00, v6  }
0x97: {  	[tilespmem:s15+$0xFB70] =	vst v11;
	v11 =	vld [tilespmem:s15+$0x5BE0];
	v5 =	vmul.f32 $8.000000000e+00, v5  }
0x98: {  	[tilespmem:s15+$0xFB80] =	vst v6;
	v6 =	vld [tilespmem:s15+$0x5BF0];
	v7 =	vmul.f32 $8.000000000e+00, v7  }
0x99: {  	v10 =	vmul.f32 $8.000000000e+00, v10;
	[tilespmem:s15+$0xFB90] =	vst v5;
	v5 =	vld [tilespmem:s15+$0x5C00]  }
0x9a: {  	v8 =	vmul.f32 $8.000000000e+00, v8;
	[tilespmem:s15+$0xFBA0] =	vst v7;
	v7 =	vld [tilespmem:s15+$0x5C10]  }
0x9b: {  	v9 =	vmul.f32 $8.000000000e+00, v9;
	[tilespmem:s15+$0xFBD0] =	vst v10;
	v10 =	vld [tilespmem:s15+$0x5C40]  }
0x9c: {  	v11 =	vmul.f32 $8.000000000e+00, v11;
	[tilespmem:s15+$0xFBB0] =	vst v8;
	v8 =	vld [tilespmem:s15+$0x5C20]  }
0x9d: {  	[tilespmem:s15+$0xFBC0] =	vst v9;
	v9 =	vld [tilespmem:s15+$0x5C30];
	v6 =	vmul.f32 $8.000000000e+00, v6  }
0x9e: {  	v63 =	vld [tilespmem:s15+$0x5C60];
	[tilespmem:s15+$0xFBE0] =	vst v11;
	v5 =	vmul.f32 $8.000000000e+00, v5  }
0x9f: {  	v11 =	vld [tilespmem:s15+$0x5C50];
	[tilespmem:s15+$0xFBF0] =	vst v6;
	v6 =	vmul.f32 $8.000000000e+00, v7  }
0xa0: {  	v13 =	vld [tilespmem:s15+$0x5C70];
	v7 =	vmul.f32 $8.000000000e+00, v10;
	[tilespmem:s15+$0xFC00] =	vst v5  }
0xa1: {  	v14 =	vld [tilespmem:s15+$0x5C80];
	v5 =	vmul.f32 $8.000000000e+00, v8;
	[tilespmem:s15+$0xFC10] =	vst v6  }
0xa2: {  	p1 =	por $0x1, $0x1;
	v6 =	vmul.f32 $8.000000000e+00, v9;
	v9 =	vld [tilespmem:s15+$0x5C90];
	[tilespmem:s15+$0xFC40] =	vst v7  }
.Ltmp4:
0xa3: {  	v10 =	vmul.f32 $8.000000000e+00, v63;
	[tilespmem:s15+$0xFC20] =	vst v5;
	v5 =	vld [tilespmem:s15+$0x5CA0];
	(pc) =	sbr.rel @!p1 .LBB2_8-.Ltmp4, $4  }
0xa4: {  	v8 =	vmul.f32 $8.000000000e+00, v11;
	[tilespmem:s15+$0xFC30] =	vst v6;
	v6 =	vld [tilespmem:s15+$0x5CB0]  }
0xa5: {  	v7 =	vld [tilespmem:s15+$0x5CC0];
	v11 =	vmul.f32 $8.000000000e+00, v13;
	[tilespmem:s15+$0xFC60] =	vst v10  }
0xa6: {  	v10 =	vmul.f32 $8.000000000e+00, v14;
	[tilespmem:s15+$0xFC50] =	vst v8;
	v8 =	vld [tilespmem:s15+$0x5CD0]  }
0xa7: {  	s17 =	simm.s32 $0x500;
	s16 =	simm.s32 $0x2800;
	p0 =	por $0x1, $0x1;
	[tilespmem:s15+$0xFC70] =	vst v11;
	v11 =	vmul.f32 $8.000000000e+00, v9;
	v9 =	vld [tilespmem:s15+$0x5CE0]  }
.LBB2_7:
0xa8: {  	p1 =	sne.s32 s16, $0x26C00;
	v12 =	vld [tilespmem:s17+$0x5CF0];
	[tilespmem:s15+$0xFC80] =	vst v10;
	v5 =	vmul.f32 $8.000000000e+00, v5  }
0xa9: {  	v10 =	vld [tilespmem:s17+$0x5800];
	[tilespmem:s15+$0xFC90] =	vst v11;
	v6 =	vmul.f32 $8.000000000e+00, v6  }
0xaa: {  	v11 =	vld [tilespmem:s17+$0x5810];
	[tilespmem:s15+$0xFCA0] =	vst v5;
	v5 =	vmul.f32 $8.000000000e+00, v7  }
0xab: {  	v7 =	vld [tilespmem:s17+$0x5820];
	[tilespmem:s15+$0xFCB0] =	vst v6;
	v6 =	vmul.f32 $8.000000000e+00, v8  }
0xac: {  	v8 =	vld [tilespmem:s17+$0x5830];
	[tilespmem:s15+$0xFCC0] =	vst v5;
	v5 =	vmul.f32 $8.000000000e+00, v9  }
0xad: {  	v9 =	vld [tilespmem:s17+$0x5840];
	v12 =	vmul.f32 $8.000000000e+00, v12;
	[tilespmem:s15+$0xFCD0] =	vst v6  }
0xae: {  	v6 =	vmul.f32 $8.000000000e+00, v10;
	v10 =	vld [tilespmem:s17+$0x5850];
	[tilespmem:s15+$0xFCE0] =	vst v5;
	s15 =	smov.u32 s17  }
0xaf: {  	v5 =	vmul.f32 $8.000000000e+00, v11;
	v11 =	vld [tilespmem:s15+$0x5860];
	[tilespmem:s15+$0xFCF0] =	vst v12  }
0xb0: {  	[tilespmem:s15+$0xF800] =	vst v6;
	v6 =	vmul.f32 $8.000000000e+00, v7;
	v7 =	vld [tilespmem:s15+$0x5870]  }
0xb1: {  	[tilespmem:s15+$0xF810] =	vst v5;
	v5 =	vmul.f32 $8.000000000e+00, v8;
	v8 =	vld [tilespmem:s15+$0x5880]  }
0xb2: {  	[tilespmem:s15+$0xF820] =	vst v6;
	v6 =	vmul.f32 $8.000000000e+00, v9;
	v9 =	vld [tilespmem:s15+$0x5890]  }
0xb3: {  	[tilespmem:s15+$0xF830] =	vst v5;
	v5 =	vmul.f32 $8.000000000e+00, v10;
	v10 =	vld [tilespmem:s15+$0x58A0]  }
0xb4: {  	[tilespmem:s15+$0xF840] =	vst v6;
	v6 =	vmul.f32 $8.000000000e+00, v11;
	v11 =	vld [tilespmem:s15+$0x58B0]  }
0xb5: {  	[tilespmem:s15+$0xF850] =	vst v5;
	v5 =	vmul.f32 $8.000000000e+00, v7;
	v7 =	vld [tilespmem:s15+$0x58C0]  }
0xb6: {  	[tilespmem:s15+$0xF860] =	vst v6;
	v6 =	vmul.f32 $8.000000000e+00, v8;
	v8 =	vld [tilespmem:s15+$0x58D0]  }
0xb7: {  	[tilespmem:s15+$0xF870] =	vst v5;
	v5 =	vmul.f32 $8.000000000e+00, v9;
	v9 =	vld [tilespmem:s15+$0x58E0]  }
0xb8: {  	[tilespmem:s15+$0xF880] =	vst v6;
	v6 =	vmul.f32 $8.000000000e+00, v10;
	v10 =	vld [tilespmem:s15+$0x58F0]  }
0xb9: {  	[tilespmem:s15+$0xF890] =	vst v5;
	v5 =	vmul.f32 $8.000000000e+00, v11;
	v11 =	vld [tilespmem:s15+$0x5900]  }
0xba: {  	[tilespmem:s15+$0xF8A0] =	vst v6;
	v6 =	vmul.f32 $8.000000000e+00, v7;
	v7 =	vld [tilespmem:s15+$0x5910]  }
0xbb: {  	[tilespmem:s15+$0xF8B0] =	vst v5;
	v5 =	vmul.f32 $8.000000000e+00, v8;
	v8 =	vld [tilespmem:s15+$0x5920]  }
0xbc: {  	[tilespmem:s15+$0xF8C0] =	vst v6;
	v6 =	vmul.f32 $8.000000000e+00, v9;
	v9 =	vld [tilespmem:s15+$0x5930]  }
0xbd: {  	[tilespmem:s15+$0xF8D0] =	vst v5;
	v5 =	vmul.f32 $8.000000000e+00, v10;
	v10 =	vld [tilespmem:s15+$0x5940]  }
0xbe: {  	[tilespmem:s15+$0xF8E0] =	vst v6;
	v6 =	vmul.f32 $8.000000000e+00, v11;
	v11 =	vld [tilespmem:s15+$0x5950]  }
0xbf: {  	[tilespmem:s15+$0xF8F0] =	vst v5;
	v5 =	vmul.f32 $8.000000000e+00, v7;
	v7 =	vld [tilespmem:s15+$0x5960]  }
0xc0: {  	[tilespmem:s15+$0xF900] =	vst v6;
	v6 =	vmul.f32 $8.000000000e+00, v8;
	v8 =	vld [tilespmem:s15+$0x5970]  }
0xc1: {  	[tilespmem:s15+$0xF910] =	vst v5;
	v5 =	vmul.f32 $8.000000000e+00, v9;
	v9 =	vld [tilespmem:s15+$0x5980]  }
0xc2: {  	[tilespmem:s15+$0xF920] =	vst v6;
	v6 =	vmul.f32 $8.000000000e+00, v10;
	v10 =	vld [tilespmem:s15+$0x5990]  }
0xc3: {  	[tilespmem:s15+$0xF930] =	vst v5;
	v5 =	vmul.f32 $8.000000000e+00, v11;
	v11 =	vld [tilespmem:s15+$0x59A0]  }
0xc4: {  	[tilespmem:s15+$0xF940] =	vst v6;
	v6 =	vmul.f32 $8.000000000e+00, v7;
	v7 =	vld [tilespmem:s15+$0x59B0]  }
0xc5: {  	[tilespmem:s15+$0xF950] =	vst v5;
	v5 =	vmul.f32 $8.000000000e+00, v8;
	v8 =	vld [tilespmem:s15+$0x59C0]  }
0xc6: {  	[tilespmem:s15+$0xF960] =	vst v6;
	v6 =	vmul.f32 $8.000000000e+00, v9;
	v9 =	vld [tilespmem:s15+$0x59D0]  }
0xc7: {  	[tilespmem:s15+$0xF970] =	vst v5;
	v5 =	vmul.f32 $8.000000000e+00, v10;
	v10 =	vld [tilespmem:s15+$0x59E0]  }
0xc8: {  	[tilespmem:s15+$0xF980] =	vst v6;
	v6 =	vmul.f32 $8.000000000e+00, v11;
	v11 =	vld [tilespmem:s15+$0x59F0]  }
0xc9: {  	[tilespmem:s15+$0xF990] =	vst v5;
	v5 =	vmul.f32 $8.000000000e+00, v7;
	v7 =	vld [tilespmem:s15+$0x5A00]  }
0xca: {  	[tilespmem:s15+$0xF9A0] =	vst v6;
	v6 =	vmul.f32 $8.000000000e+00, v8;
	v8 =	vld [tilespmem:s15+$0x5A10]  }
0xcb: {  	[tilespmem:s15+$0xF9B0] =	vst v5;
	v5 =	vmul.f32 $8.000000000e+00, v9;
	v9 =	vld [tilespmem:s15+$0x5A20]  }
0xcc: {  	[tilespmem:s15+$0xF9C0] =	vst v6;
	v6 =	vmul.f32 $8.000000000e+00, v10;
	v10 =	vld [tilespmem:s15+$0x5A30]  }
0xcd: {  	[tilespmem:s15+$0xF9D0] =	vst v5;
	v5 =	vmul.f32 $8.000000000e+00, v11;
	v11 =	vld [tilespmem:s15+$0x5A40]  }
0xce: {  	[tilespmem:s15+$0xF9E0] =	vst v6;
	v6 =	vmul.f32 $8.000000000e+00, v7;
	v7 =	vld [tilespmem:s15+$0x5A50]  }
0xcf: {  	[tilespmem:s15+$0xF9F0] =	vst v5;
	v5 =	vmul.f32 $8.000000000e+00, v8;
	v8 =	vld [tilespmem:s15+$0x5A60]  }
0xd0: {  	[tilespmem:s15+$0xFA00] =	vst v6;
	v6 =	vmul.f32 $8.000000000e+00, v9;
	v9 =	vld [tilespmem:s15+$0x5A70]  }
0xd1: {  	[tilespmem:s15+$0xFA10] =	vst v5;
	v5 =	vmul.f32 $8.000000000e+00, v10;
	v10 =	vld [tilespmem:s15+$0x5A80]  }
0xd2: {  	[tilespmem:s15+$0xFA20] =	vst v6;
	v6 =	vmul.f32 $8.000000000e+00, v11;
	v11 =	vld [tilespmem:s15+$0x5A90]  }
0xd3: {  	[tilespmem:s15+$0xFA30] =	vst v5;
	v5 =	vmul.f32 $8.000000000e+00, v7;
	v7 =	vld [tilespmem:s15+$0x5AA0]  }
0xd4: {  	[tilespmem:s15+$0xFA40] =	vst v6;
	v6 =	vmul.f32 $8.000000000e+00, v8;
	v8 =	vld [tilespmem:s15+$0x5AB0]  }
0xd5: {  	[tilespmem:s15+$0xFA50] =	vst v5;
	v5 =	vmul.f32 $8.000000000e+00, v9;
	v9 =	vld [tilespmem:s15+$0x5AC0]  }
0xd6: {  	[tilespmem:s15+$0xFA60] =	vst v6;
	v6 =	vmul.f32 $8.000000000e+00, v10;
	v10 =	vld [tilespmem:s15+$0x5AD0]  }
0xd7: {  	[tilespmem:s15+$0xFA70] =	vst v5;
	v5 =	vmul.f32 $8.000000000e+00, v11;
	v11 =	vld [tilespmem:s15+$0x5AE0]  }
0xd8: {  	[tilespmem:s15+$0xFA80] =	vst v6;
	v6 =	vmul.f32 $8.000000000e+00, v7;
	v7 =	vld [tilespmem:s15+$0x5AF0]  }
0xd9: {  	[tilespmem:s15+$0xFA90] =	vst v5;
	v5 =	vmul.f32 $8.000000000e+00, v8;
	v8 =	vld [tilespmem:s15+$0x5B00]  }
0xda: {  	[tilespmem:s15+$0xFAA0] =	vst v6;
	v6 =	vmul.f32 $8.000000000e+00, v9;
	v9 =	vld [tilespmem:s15+$0x5B10]  }
0xdb: {  	[tilespmem:s15+$0xFAB0] =	vst v5;
	v5 =	vmul.f32 $8.000000000e+00, v10;
	v10 =	vld [tilespmem:s15+$0x5B20]  }
0xdc: {  	[tilespmem:s15+$0xFAC0] =	vst v6;
	v6 =	vmul.f32 $8.000000000e+00, v11;
	v11 =	vld [tilespmem:s15+$0x5B30]  }
0xdd: {  	[tilespmem:s15+$0xFAD0] =	vst v5;
	v5 =	vmul.f32 $8.000000000e+00, v7;
	v7 =	vld [tilespmem:s15+$0x5B40]  }
0xde: {  	[tilespmem:s15+$0xFAE0] =	vst v6;
	v6 =	vmul.f32 $8.000000000e+00, v8;
	v8 =	vld [tilespmem:s15+$0x5B50]  }
0xdf: {  	[tilespmem:s15+$0xFAF0] =	vst v5;
	v5 =	vmul.f32 $8.000000000e+00, v9;
	v9 =	vld [tilespmem:s15+$0x5B60]  }
0xe0: {  	[tilespmem:s15+$0xFB00] =	vst v6;
	v6 =	vmul.f32 $8.000000000e+00, v10;
	v10 =	vld [tilespmem:s15+$0x5B70]  }
0xe1: {  	[tilespmem:s15+$0xFB10] =	vst v5;
	v5 =	vmul.f32 $8.000000000e+00, v11;
	v11 =	vld [tilespmem:s15+$0x5B80]  }
0xe2: {  	[tilespmem:s15+$0xFB20] =	vst v6;
	v6 =	vmul.f32 $8.000000000e+00, v7;
	v7 =	vld [tilespmem:s15+$0x5B90]  }
0xe3: {  	[tilespmem:s15+$0xFB30] =	vst v5;
	v5 =	vmul.f32 $8.000000000e+00, v8;
	v8 =	vld [tilespmem:s15+$0x5BA0]  }
0xe4: {  	[tilespmem:s15+$0xFB40] =	vst v6;
	v6 =	vmul.f32 $8.000000000e+00, v9;
	v9 =	vld [tilespmem:s15+$0x5BB0]  }
0xe5: {  	[tilespmem:s15+$0xFB50] =	vst v5;
	v5 =	vmul.f32 $8.000000000e+00, v10;
	v10 =	vld [tilespmem:s15+$0x5BC0]  }
0xe6: {  	[tilespmem:s15+$0xFB60] =	vst v6;
	v6 =	vmul.f32 $8.000000000e+00, v11;
	v11 =	vld [tilespmem:s15+$0x5BD0]  }
0xe7: {  	[tilespmem:s15+$0xFB70] =	vst v5;
	v5 =	vmul.f32 $8.000000000e+00, v7;
	v7 =	vld [tilespmem:s15+$0x5BE0]  }
0xe8: {  	[tilespmem:s15+$0xFB80] =	vst v6;
	v6 =	vmul.f32 $8.000000000e+00, v8;
	v8 =	vld [tilespmem:s15+$0x5BF0]  }
0xe9: {  	[tilespmem:s15+$0xFB90] =	vst v5;
	v5 =	vmul.f32 $8.000000000e+00, v9;
	v9 =	vld [tilespmem:s15+$0x5C00]  }
0xea: {  	[tilespmem:s15+$0xFBA0] =	vst v6;
	v6 =	vmul.f32 $8.000000000e+00, v10;
	v10 =	vld [tilespmem:s15+$0x5C10]  }
0xeb: {  	[tilespmem:s15+$0xFBB0] =	vst v5;
	v5 =	vmul.f32 $8.000000000e+00, v11;
	v11 =	vld [tilespmem:s15+$0x5C20]  }
0xec: {  	[tilespmem:s15+$0xFBC0] =	vst v6;
	v6 =	vmul.f32 $8.000000000e+00, v7;
	v7 =	vld [tilespmem:s15+$0x5C30]  }
0xed: {  	[tilespmem:s15+$0xFBD0] =	vst v5;
	v5 =	vmul.f32 $8.000000000e+00, v8;
	v8 =	vld [tilespmem:s15+$0x5C40]  }
0xee: {  	[tilespmem:s15+$0xFBE0] =	vst v6;
	v6 =	vmul.f32 $8.000000000e+00, v9;
	v9 =	vld [tilespmem:s15+$0x5C50]  }
0xef: {  	[tilespmem:s15+$0xFBF0] =	vst v5;
	v5 =	vmul.f32 $8.000000000e+00, v10;
	v10 =	vld [tilespmem:s15+$0x5C60]  }
0xf0: {  	[tilespmem:s15+$0xFC00] =	vst v6;
	v6 =	vmul.f32 $8.000000000e+00, v11;
	v11 =	vld [tilespmem:s15+$0x5C70]  }
0xf1: {  	[tilespmem:s15+$0xFC10] =	vst v5;
	v5 =	vmul.f32 $8.000000000e+00, v7;
	v12 =	vld [tilespmem:s15+$0x5C80]  }
0xf2: {  	[tilespmem:s15+$0xFC20] =	vst v6;
	v6 =	vmul.f32 $8.000000000e+00, v8;
	v13 =	vld [tilespmem:s15+$0x5C90]  }
.Ltmp5:
0xf3: {  	[tilespmem:s15+$0xFC30] =	vst v5;
	v7 =	vmul.f32 $8.000000000e+00, v9;
	v5 =	vld [tilespmem:s15+$0x5CA0];
	(pc) =	sbr.rel @p1 .LBB2_7-.Ltmp5, $4  }
0xf4: {  	[tilespmem:s15+$0xFC40] =	vst v6;
	v8 =	vmul.f32 $8.000000000e+00, v10;
	v6 =	vld [tilespmem:s15+$0x5CB0]  }
0xf5: {  	[tilespmem:s15+$0xFC50] =	vst v7;
	v9 =	vmul.f32 $8.000000000e+00, v11;
	v7 =	vld [tilespmem:s15+$0x5CC0]  }
0xf6: {  	[tilespmem:s15+$0xFC60] =	vst v8;
	v10 =	vmul.f32 $8.000000000e+00, v12;
	v8 =	vld [tilespmem:s15+$0x5CD0]  }
0xf7: {  	s17 =	sshra.s32 s16, $0x2;
	s16 =	sadd.s32 $0x1400, s16;
	[tilespmem:s15+$0xFC70] =	vst v9;
	v11 =	vmul.f32 $8.000000000e+00, v13;
	v9 =	vld [tilespmem:s15+$0x5CE0]  }
.LBB2_8:
0xf8: {  	v12 =	vld [tilespmem:s17+$0x5CF0];
	[tilespmem:s15+$0xFC80] =	vst @p0 v10;
	v5 =	vmul.f32 @p0 $8.000000000e+00, v5  }
0xf9: {  	v10 =	vld [tilespmem:s17+$0x5800];
	[tilespmem:s15+$0xFC90] =	vst @p0 v11;
	v6 =	vmul.f32 @p0 $8.000000000e+00, v6  }
0xfa: {  	v11 =	vld [tilespmem:s17+$0x5810];
	[tilespmem:s15+$0xFCA0] =	vst @p0 v5;
	v7 =	vmul.f32 @p0 $8.000000000e+00, v7  }
0xfb: {  	v5 =	vld [tilespmem:s17+$0x5820];
	[tilespmem:s15+$0xFCB0] =	vst @p0 v6;
	v8 =	vmul.f32 @p0 $8.000000000e+00, v8  }
0xfc: {  	v6 =	vld [tilespmem:s17+$0x5830];
	[tilespmem:s15+$0xFCC0] =	vst @p0 v7;
	v9 =	vmul.f32 @p0 $8.000000000e+00, v9  }
0xfd: {  	v7 =	vld [tilespmem:s17+$0x5840];
	[tilespmem:s15+$0xFCD0] =	vst @p0 v8;
	v12 =	vmul.f32 $8.000000000e+00, v12  }
0xfe: {  	v8 =	vld [tilespmem:s17+$0x5850];
	[tilespmem:s15+$0xFCE0] =	vst @p0 v9;
	v20 =	vmul.f32 $8.000000000e+00, v10  }
0xff: {  	v21 =	vld [tilespmem:s17+$0x5860];
	[tilespmem:s17+$0xFCF0] =	vst v12;
	v11 =	vmul.f32 $8.000000000e+00, v11  }
0x100: {  	v22 =	vld [tilespmem:s17+$0x5870];
	[tilespmem:s17+$0xF800] =	vst v20;
	v5 =	vmul.f32 $8.000000000e+00, v5  }
0x101: {  	v23 =	vld [tilespmem:s17+$0x5880];
	[tilespmem:s17+$0xF810] =	vst v11;
	v6 =	vmul.f32 $8.000000000e+00, v6  }
0x102: {  	[tilespmem:s17+$0xF820] =	vst v5;
	v5 =	vld [tilespmem:s17+$0x5890];
	v7 =	vmul.f32 $8.000000000e+00, v7  }
0x103: {  	[tilespmem:s17+$0xF830] =	vst v6;
	v6 =	vld [tilespmem:s17+$0x58A0];
	v8 =	vmul.f32 $8.000000000e+00, v8  }
0x104: {  	[tilespmem:s17+$0xF840] =	vst v7;
	v7 =	vld [tilespmem:s17+$0x58B0];
	v10 =	vmul.f32 $8.000000000e+00, v21  }
0x105: {  	v24 =	vld [tilespmem:s17+$0x58C0];
	v9 =	vmul.f32 $8.000000000e+00, v22;
	[tilespmem:s17+$0xF850] =	vst v8  }
0x106: {  	v25 =	vld [tilespmem:s17+$0x58D0];
	v11 =	vmul.f32 $8.000000000e+00, v23;
	[tilespmem:s17+$0xF860] =	vst v10  }
0x107: {  	v26 =	vld [tilespmem:s17+$0x58E0];
	[tilespmem:s17+$0xF870] =	vst v9;
	v5 =	vmul.f32 $8.000000000e+00, v5  }
0x108: {  	v27 =	vld [tilespmem:s17+$0x58F0];
	[tilespmem:s17+$0xF880] =	vst v11;
	v6 =	vmul.f32 $8.000000000e+00, v6  }
0x109: {  	[tilespmem:s17+$0xF890] =	vst v5;
	v5 =	vld [tilespmem:s17+$0x5900];
	v7 =	vmul.f32 $8.000000000e+00, v7  }
0x10a: {  	v8 =	vmul.f32 $8.000000000e+00, v24;
	[tilespmem:s17+$0xF8A0] =	vst v6;
	v6 =	vld [tilespmem:s17+$0x5910]  }
0x10b: {  	v10 =	vmul.f32 $8.000000000e+00, v25;
	[tilespmem:s17+$0xF8B0] =	vst v7;
	v7 =	vld [tilespmem:s17+$0x5920]  }
0x10c: {  	v28 =	vld [tilespmem:s17+$0x5930];
	v9 =	vmul.f32 $8.000000000e+00, v26;
	[tilespmem:s17+$0xF8C0] =	vst v8  }
0x10d: {  	v29 =	vld [tilespmem:s17+$0x5940];
	v11 =	vmul.f32 $8.000000000e+00, v27;
	[tilespmem:s17+$0xF8D0] =	vst v10  }
0x10e: {  	v30 =	vld [tilespmem:s17+$0x5950];
	[tilespmem:s17+$0xF8E0] =	vst v9;
	v5 =	vmul.f32 $8.000000000e+00, v5  }
0x10f: {  	v31 =	vld [tilespmem:s17+$0x5960];
	[tilespmem:s17+$0xF8F0] =	vst v11;
	v6 =	vmul.f32 $8.000000000e+00, v6  }
0x110: {  	[tilespmem:s17+$0xF900] =	vst v5;
	v5 =	vld [tilespmem:s17+$0x5970];
	v7 =	vmul.f32 $8.000000000e+00, v7  }
0x111: {  	v8 =	vmul.f32 $8.000000000e+00, v28;
	[tilespmem:s17+$0xF910] =	vst v6;
	v6 =	vld [tilespmem:s17+$0x5980]  }
0x112: {  	v10 =	vmul.f32 $8.000000000e+00, v29;
	[tilespmem:s17+$0xF920] =	vst v7;
	v7 =	vld [tilespmem:s17+$0x5990]  }
0x113: {  	v32 =	vld [tilespmem:s17+$0x59A0];
	v9 =	vmul.f32 $8.000000000e+00, v30;
	[tilespmem:s17+$0xF930] =	vst v8  }
0x114: {  	v33 =	vld [tilespmem:s17+$0x59B0];
	v11 =	vmul.f32 $8.000000000e+00, v31;
	[tilespmem:s17+$0xF940] =	vst v10  }
0x115: {  	v34 =	vld [tilespmem:s17+$0x59C0];
	[tilespmem:s17+$0xF950] =	vst v9;
	v5 =	vmul.f32 $8.000000000e+00, v5  }
0x116: {  	v35 =	vld [tilespmem:s17+$0x59D0];
	[tilespmem:s17+$0xF960] =	vst v11;
	v6 =	vmul.f32 $8.000000000e+00, v6  }
0x117: {  	[tilespmem:s17+$0xF970] =	vst v5;
	v5 =	vld [tilespmem:s17+$0x59E0];
	v7 =	vmul.f32 $8.000000000e+00, v7  }
0x118: {  	v8 =	vmul.f32 $8.000000000e+00, v32;
	[tilespmem:s17+$0xF980] =	vst v6;
	v6 =	vld [tilespmem:s17+$0x59F0]  }
0x119: {  	v10 =	vmul.f32 $8.000000000e+00, v33;
	[tilespmem:s17+$0xF990] =	vst v7;
	v7 =	vld [tilespmem:s17+$0x5A00]  }
0x11a: {  	v36 =	vld [tilespmem:s17+$0x5A10];
	v9 =	vmul.f32 $8.000000000e+00, v34;
	[tilespmem:s17+$0xF9A0] =	vst v8  }
0x11b: {  	v37 =	vld [tilespmem:s17+$0x5A20];
	v11 =	vmul.f32 $8.000000000e+00, v35;
	[tilespmem:s17+$0xF9B0] =	vst v10  }
0x11c: {  	v38 =	vld [tilespmem:s17+$0x5A30];
	[tilespmem:s17+$0xF9C0] =	vst v9;
	v5 =	vmul.f32 $8.000000000e+00, v5  }
0x11d: {  	v39 =	vld [tilespmem:s17+$0x5A40];
	[tilespmem:s17+$0xF9D0] =	vst v11;
	v6 =	vmul.f32 $8.000000000e+00, v6  }
0x11e: {  	[tilespmem:s17+$0xF9E0] =	vst v5;
	v5 =	vld [tilespmem:s17+$0x5A50];
	v7 =	vmul.f32 $8.000000000e+00, v7  }
0x11f: {  	v8 =	vmul.f32 $8.000000000e+00, v36;
	[tilespmem:s17+$0xF9F0] =	vst v6;
	v6 =	vld [tilespmem:s17+$0x5A60]  }
0x120: {  	v10 =	vmul.f32 $8.000000000e+00, v37;
	[tilespmem:s17+$0xFA00] =	vst v7;
	v7 =	vld [tilespmem:s17+$0x5A70]  }
0x121: {  	v40 =	vld [tilespmem:s17+$0x5A80];
	v9 =	vmul.f32 $8.000000000e+00, v38;
	[tilespmem:s17+$0xFA10] =	vst v8  }
0x122: {  	v41 =	vld [tilespmem:s17+$0x5A90];
	v11 =	vmul.f32 $8.000000000e+00, v39;
	[tilespmem:s17+$0xFA20] =	vst v10  }
0x123: {  	v42 =	vld [tilespmem:s17+$0x5AA0];
	[tilespmem:s17+$0xFA30] =	vst v9;
	v5 =	vmul.f32 $8.000000000e+00, v5  }
0x124: {  	v43 =	vld [tilespmem:s17+$0x5AB0];
	[tilespmem:s17+$0xFA40] =	vst v11;
	v6 =	vmul.f32 $8.000000000e+00, v6  }
0x125: {  	[tilespmem:s17+$0xFA50] =	vst v5;
	v5 =	vld [tilespmem:s17+$0x5AC0];
	v7 =	vmul.f32 $8.000000000e+00, v7  }
0x126: {  	v8 =	vmul.f32 $8.000000000e+00, v40;
	[tilespmem:s17+$0xFA60] =	vst v6;
	v6 =	vld [tilespmem:s17+$0x5AD0]  }
0x127: {  	v10 =	vmul.f32 $8.000000000e+00, v41;
	[tilespmem:s17+$0xFA70] =	vst v7;
	v7 =	vld [tilespmem:s17+$0x5AE0]  }
0x128: {  	v44 =	vld [tilespmem:s17+$0x5AF0];
	v9 =	vmul.f32 $8.000000000e+00, v42;
	[tilespmem:s17+$0xFA80] =	vst v8  }
0x129: {  	v45 =	vld [tilespmem:s17+$0x5B00];
	v11 =	vmul.f32 $8.000000000e+00, v43;
	[tilespmem:s17+$0xFA90] =	vst v10  }
0x12a: {  	v46 =	vld [tilespmem:s17+$0x5B10];
	[tilespmem:s17+$0xFAA0] =	vst v9;
	v5 =	vmul.f32 $8.000000000e+00, v5  }
0x12b: {  	v47 =	vld [tilespmem:s17+$0x5B20];
	[tilespmem:s17+$0xFAB0] =	vst v11;
	v6 =	vmul.f32 $8.000000000e+00, v6  }
0x12c: {  	[tilespmem:s17+$0xFAC0] =	vst v5;
	v5 =	vld [tilespmem:s17+$0x5B30];
	v7 =	vmul.f32 $8.000000000e+00, v7  }
0x12d: {  	v8 =	vmul.f32 $8.000000000e+00, v44;
	[tilespmem:s17+$0xFAD0] =	vst v6;
	v6 =	vld [tilespmem:s17+$0x5B40]  }
0x12e: {  	v10 =	vmul.f32 $8.000000000e+00, v45;
	[tilespmem:s17+$0xFAE0] =	vst v7;
	v7 =	vld [tilespmem:s17+$0x5B50]  }
0x12f: {  	v48 =	vld [tilespmem:s17+$0x5B60];
	v9 =	vmul.f32 $8.000000000e+00, v46;
	[tilespmem:s17+$0xFAF0] =	vst v8  }
0x130: {  	v49 =	vld [tilespmem:s17+$0x5B70];
	v11 =	vmul.f32 $8.000000000e+00, v47;
	[tilespmem:s17+$0xFB00] =	vst v10  }
0x131: {  	v50 =	vld [tilespmem:s17+$0x5B80];
	[tilespmem:s17+$0xFB10] =	vst v9;
	v5 =	vmul.f32 $8.000000000e+00, v5  }
0x132: {  	v51 =	vld [tilespmem:s17+$0x5B90];
	[tilespmem:s17+$0xFB20] =	vst v11;
	v6 =	vmul.f32 $8.000000000e+00, v6  }
0x133: {  	[tilespmem:s17+$0xFB30] =	vst v5;
	v5 =	vld [tilespmem:s17+$0x5BA0];
	v7 =	vmul.f32 $8.000000000e+00, v7  }
0x134: {  	v8 =	vmul.f32 $8.000000000e+00, v48;
	[tilespmem:s17+$0xFB40] =	vst v6;
	v6 =	vld [tilespmem:s17+$0x5BB0]  }
0x135: {  	v10 =	vmul.f32 $8.000000000e+00, v49;
	[tilespmem:s17+$0xFB50] =	vst v7;
	v7 =	vld [tilespmem:s17+$0x5BC0]  }
0x136: {  	v52 =	vld [tilespmem:s17+$0x5BD0];
	v9 =	vmul.f32 $8.000000000e+00, v50;
	[tilespmem:s17+$0xFB60] =	vst v8  }
0x137: {  	v53 =	vld [tilespmem:s17+$0x5BE0];
	v11 =	vmul.f32 $8.000000000e+00, v51;
	[tilespmem:s17+$0xFB70] =	vst v10  }
0x138: {  	v54 =	vld [tilespmem:s17+$0x5BF0];
	[tilespmem:s17+$0xFB80] =	vst v9;
	v5 =	vmul.f32 $8.000000000e+00, v5  }
0x139: {  	v55 =	vld [tilespmem:s17+$0x5C00];
	[tilespmem:s17+$0xFB90] =	vst v11;
	v6 =	vmul.f32 $8.000000000e+00, v6  }
0x13a: {  	[tilespmem:s17+$0xFBA0] =	vst v5;
	v5 =	vld [tilespmem:s17+$0x5C10];
	v7 =	vmul.f32 $8.000000000e+00, v7  }
0x13b: {  	v8 =	vmul.f32 $8.000000000e+00, v52;
	[tilespmem:s17+$0xFBB0] =	vst v6;
	v6 =	vld [tilespmem:s17+$0x5C20]  }
0x13c: {  	v10 =	vmul.f32 $8.000000000e+00, v53;
	[tilespmem:s17+$0xFBC0] =	vst v7;
	v7 =	vld [tilespmem:s17+$0x5C30]  }
0x13d: {  	v56 =	vld [tilespmem:s17+$0x5C40];
	v9 =	vmul.f32 $8.000000000e+00, v54;
	[tilespmem:s17+$0xFBD0] =	vst v8  }
0x13e: {  	v57 =	vld [tilespmem:s17+$0x5C50];
	v11 =	vmul.f32 $8.000000000e+00, v55;
	[tilespmem:s17+$0xFBE0] =	vst v10  }
0x13f: {  	v58 =	vld [tilespmem:s17+$0x5C60];
	[tilespmem:s17+$0xFBF0] =	vst v9;
	v5 =	vmul.f32 $8.000000000e+00, v5  }
0x140: {  	v59 =	vld [tilespmem:s17+$0x5C70];
	[tilespmem:s17+$0xFC00] =	vst v11;
	v6 =	vmul.f32 $8.000000000e+00, v6  }
0x141: {  	[tilespmem:s17+$0xFC10] =	vst v5;
	v5 =	vld [tilespmem:s17+$0x5C80];
	v7 =	vmul.f32 $8.000000000e+00, v7  }
0x142: {  	v8 =	vmul.f32 $8.000000000e+00, v56;
	[tilespmem:s17+$0xFC20] =	vst v6;
	v6 =	vld [tilespmem:s17+$0x5C90]  }
0x143: {  	v10 =	vmul.f32 $8.000000000e+00, v57;
	[tilespmem:s17+$0xFC30] =	vst v7;
	v7 =	vld [tilespmem:s17+$0x5CA0]  }
0x144: {  	v60 =	vld [tilespmem:s17+$0x5CB0];
	v9 =	vmul.f32 $8.000000000e+00, v58;
	[tilespmem:s17+$0xFC40] =	vst v8  }
0x145: {  	v61 =	vld [tilespmem:s17+$0x5CC0];
	v11 =	vmul.f32 $8.000000000e+00, v59;
	[tilespmem:s17+$0xFC50] =	vst v10  }
0x146: {  	v62 =	vld [tilespmem:s17+$0x5CD0];
	[tilespmem:s17+$0xFC60] =	vst v9;
	v5 =	vmul.f32 $8.000000000e+00, v5  }
0x147: {  	v63 =	vld [tilespmem:s17+$0x5CE0];
	[tilespmem:s17+$0xFC70] =	vst v11;
	v6 =	vmul.f32 $8.000000000e+00, v6  }
0x148: {  	[tilespmem:s17+$0xFC80] =	vst v5;
	v5 =	vmul.f32 $8.000000000e+00, v7  }
0x149: {  	[tilespmem:s17+$0xFC90] =	vst v6;
	v6 =	vmul.f32 $8.000000000e+00, v60  }
0x14a: {  	s31 =	sshll.u32 s14, $0x5;
	[tilespmem:s17+$0xFCA0] =	vst v5;
	v5 =	vmul.f32 $8.000000000e+00, v61  }
0x14b: {  	s15 =	sadd.s32 s3, s31;
	[tilespmem:s17+$0xFCB0] =	vst v6;
	v6 =	vmul.f32 $8.000000000e+00, v62  }
0x14c: {  	s15 =	smul.u32 $0xA0, s15;
	[tilespmem:s17+$0xFCC0] =	vst v5;
	v5 =	vmul.f32 $8.000000000e+00, v63  }
0x14d: {  	s14 =	sadd.s32 $0x1, s14;
	[tilespmem:s17+$0xFCD0] =	vst v6  }
0x14e: {  	p0 =	sne.s32 s14, $0x10;
	s15 =	sadd.s32 s1, s15;
	[tilespmem:s17+$0xFCE0] =	vst v5  }
0x14f: {  	[hbm4b:s15+s2] =	stream.linear.scatter [tilespmem:s12], [sflag:$0x2], $0xA000, $0x38;
	[tilespmem:$0x19800] =	vst v63  }
.Ltmp6:
0x150: {  	_ = 	snop;
	(pc) =	sbr.rel @p0 .LBB2_4-.Ltmp6, $4  }
.Ltmp7:
0x151: {  	_ = 	snop;
	(pc) =	sbr.rel @!p0 .LBB2_9-.Ltmp7, $4  }
0x152: {  	_ =	swait.ge [sflag:s8], $0xA000  }
0x153: {  	[sflag:s8] =	ssyncset.done $0x0  }
0x154: {  	[sflag:s8] =	ssyncadd.s32 $0xFFFF6000  }
0x155: {  	_ = 	snop  }
.LBB2_5:
.Ltmp8:
0x156: {  	(pc) =	sbr.rel .LBB2_8-.Ltmp8, $2  }
0x157: {  	_ =	sdelay $0x2  }
0x158: {  	s17 =	simm.s32 $0x0  }
.LBB2_10:
0x159: {  	_ =	sfence.sel $0x180000  }
0x15a: {  	[bflag:$0x0] =	sbarrier.arrive $0xFFFF  }
0x15b: {  	p0 =	sne.s32 s0, $0x0;
	_ =	strace $0x90000047  }
0x15c: {  	s0 =	sadd.s32 @!p0 $0x100000, s4;
	[bflag:$0x2] =	sbarrier.arrive $0xFFFF  }
0x15d: {  	[sflag:s0] =	ssyncadd.tile.s32 @!p0 $0x1;
	_ =	shalt  }
.Lfunc_end2:
_tile_overlayer_lowered:
.L_overlay_start_2:
0x15e: {  	(tag) =	ssettag $0x2  }
0x15f: {  	s0 =	rddreg [dreg:$0x0];
	s2 =	stileid.u32  }
0x160: {  	s1 =	rddreg [dreg:$0x1];
	p0 =	sne.s32 s2, $0x0  }
0x161: {  	s3 =	rddreg [dreg:$0x2];
	[bflag:$0x3] =	sbarrier.arrive $0xFFFF;
	s2 =	simm.s32 @!p0 $0x1C02  }
0x162: {  	[timem:s3], [sflag:s2] =	dma.local @!p0 [hbm:s0], s1  }
0x163: {  	s0 =	simm.s32 @!p0 $0x2  }
0x164: {  	_ =	swait.ge @!p0 [sflag:s0], s1  }
0x165: {  	s1 =	ssub.s32 @!p0 $0x0, s1;
	[sflag:s0] =	ssyncset.done @!p0 $0x0  }
0x166: {  	[sflag:s0] =	ssyncadd.s32 @!p0 s1  }
0x167: {  	[bflag:$0x3] =	sbarrier.arrive $0xFFFF  }
0x168: {  	_ =	shalt  }

// kernel: sparse-core-data-format-call.cloned.1.call-start
scs
called_computation_lowered:
.L_overlay_start_0:
0x0: {  	s2 =	sld [smem:$0x3FD9]  }
0x1: {  	s3 =	sld [smem:$0x3FFE];
	_ =	sdelay $0x1  }
0x2: {  	s1 =	srdreg.scid  }
0x3: {  	s0 =	sand.u32 $0x1, s1  }
0x4: {  	s18 =	sshll.u32 s0, $0xA;
	s2 =	sadd.s32 s3, s2  }
0x5: {  	s2 =	sadd.s32 s2, s18  }
0x6: {  	[smem:$0x3FC6] =	sst s2  }
0x7: {  	_ = 	snop  }
0x8: {  	s2 =	sld [smem:$0x3FD0];
	(tm) =	ssettm $0x1  }
0x9: {  	s19 =	sld [smem:$0x3FFB];
	_ =	sdelay $0x3  }
0xa: {  	_ =	strace s19  }
0xb: {  	s3 =	sld [smem:$0x3FFC];
	_ =	sdelay $0x3  }
0xc: {  	_ =	strace s3  }
0xd: {  	s3 =	sld [smem:$0x3FFD];
	_ =	sdelay $0x3  }
0xe: {  	_ =	strace s3  }
0xf: {  	_ =	strace $0x8FFFFFFF  }
0x10: {  	s20 =	sld [smem:$0x3FDB];
	_ =	sdelay $0x1  }
0x11: {  	s4 =	simm.s32 $_scs_section_size  }
0x12: {  	s5 =	simm.s32 $_size__tile_overlayer_lowered;
	s6 =	simm.s32 $_tile_overlayer_lowered  }
0x13: {  	s23 =	simm.s32 $0x1BFF;
	s22 =	sshll.u32 s6, $0x1;
	s3 =	sadd.s32 s4, s20  }
0x14: {  	s7 =	simm.s32 $0x0;
	s21 =	sshll.u32 s5, $0x1;
	s5 =	sadd.s32 s22, s3  }
0x15: {  	[timem:s7], [sflag:s23] =	dma.local [hbm:s5], s21  }
0x16: {  	_ =	swait.ge [sflag:s23], s21  }
0x17: {  	s4 =	ssub.s32 $0x0, s21;
	[sflag:s23] =	ssyncset.done $0x0  }
0x18: {  	[sflag:s23] =	ssyncadd.s32 s4;
	_ =	sdelay $0x1  }
0x19: {  	s24 =	simm.s32 $0x1B8B  }
0x1a: {  	_ =	swait.ge [sflag:s24], $0x1  }
0x1b: {  	[sflag:s24] =	ssyncset.done $0x0  }
0x1c: {  	s26 =	simm.s32 $0x1B8E;
	s25 =	sld [smem:$0x3FFE];
	[sflag:s24] =	ssyncadd.s32 $0xFFFFFFFF  }
0x1d: {  	s27 =	simm.s32 $execute0_lowered;
	[smem:$0x3FD2] =	sst s26  }
0x1e: {  	s5 =	sshll.u32 s27, $0x1;
	_ =	strace $0x80000049;
	[dreg:$0x1] =	wrdreg $0xFFFFFFFF  }
0x1f: {  	s28 =	simm.s32 $_size_execute0_lowered;
	s3 =	sadd.s32 s3, s5;
	[dreg:$0x0] =	wrdreg $0x0  }
0x20: {  	s5 =	sshll.u32 s28, $0x1;
	[dreg:$0x2] =	wrdreg s3  }
0x21: {  	[dreg:$0x3] =	wrdreg s5  }
0x22: {  	[dreg:$0x4] =	wrdreg $0xC0  }
0x23: {  	_ =	task [dreg:s7], $0x5FFFF  }
0x24: {  	[dreg:$0x1] =	wrdreg $0xFFFFFFFF  }
0x25: {  	[dreg:$0x0] =	wrdreg $0x60  }
0x26: {  	[dreg:$0x2] =	wrdreg s25  }
0x27: {  	[dreg:$0x3] =	wrdreg s2  }
0x28: {  	[dreg:$0x4] =	wrdreg $0x9  }
0x29: {  	_ =	task.clear_ibuf [dreg:s7], $0x5FFFF;
	_ =	strace $0x90000049  }
0x2a: {  	s29 =	simm.s32 $0x9;
	_ =	strace $0x8000004B  }
0x2b: {  	_ =	swait.ge [sflag:s29], $0x1  }
0x2c: {  	[sflag:s29] =	ssyncadd.s32 $0xFFFFFFFF  }
0x2d: {  	_ =	strace $0x9000004B  }
0x2e: {  	_ =	sfence  }
0x2f: {  	s30 =	sld [smem:$0x0];
	_ =	sdelay $0x2  }
0x30: {  	s31 =	sshll.u32 s1, $0xD;
	s1 =	sshrl.u32 s1, $0x2  }
0x31: {  	s3 =	sand.u32 $0x4000, s31;
	s1 =	sadd.s32 s1, s30  }
0x32: {  	s0 =	sor.u32 s3, s0;
	s1 =	sshll.u32 s1, $0x11  }
0x33: {  	s0 =	sor.u32 s1, s0  }
0x34: {  	s0 =	sadd.s32 $0x8F2B, s0  }
0x35: {  	[sflag:s0] =	ssyncadd.remote.s32 $0x1  }
0x36: {  	_ =	sfence.sel $0xFFFF  }
0x37: {  	[dreg:$0x0] =	wrdreg $0xFFFFFFFF;
	(pc) =	sbr.abs _section_cstart, $3  }
0x38: {  	[dreg:$0x1] =	wrdreg $0xFFFFFFFF  }
0x39: {  	_ =	task.clear_ibuf [dreg:s7], $0x2FFFF;
	_ =	strace $0x9FFFFFFF  }
0x3a: {  	(tm) =	ssettm $0x7FFFFFFF  }
0x3b: {  	_ =	shalt  }
tec
execute0_lowered:
.L_overlay_start_1:
0x0: {  	(tag) =	ssettag $0x1  }
0x1: {  	s0 =	srdreg.scid  }
0x2: {  	s1 =	sshll.u32 s0, $0x4  }
0x3: {  	s0 =	stileid.u32;
	s1 =	sand.u32 $0x10, s1  }
0x4: {  	s1 =	sor.u32 s0, s1  }
0x5: {  	s6 =	rddreg [dreg:$0x0];
	s4 =	simm.s32 $0x1;
	s2 =	sshll.u32 s1, $0x7  }
0x6: {  	s7 =	simm.s32 $0x2;
	s12 =	simm.s32 $0x0;
	s1 =	ssub.s32 $0x4000, s2  }
0x7: {  	s8 =	simm.s32 $0x20000;
	s13 =	simm.s32 $0x0;
	s3 =	sand.u32 $0xF80, s1  }
0x8: {  	s9 =	simm.s32 $0x0;
	s5 =	sshrl.u32 s1, $0xC;
	p0 =	sne.s32 s3, $0x0  }
.Ltmp0:
0x9: {  	s1 =	rddreg [dreg:$0x2];
	s4 =	simm.s32 @!p0 $0x0;
	(pc) =	sbr.rel .LBB1_1-.Ltmp0, $4  }
0xa: {  	s11 =	simm.s32 $0x0;
	s3 =	rddreg [dreg:$0x1];
	s5 =	sadd.s32 s4, s5  }
0xb: {  	_ =	strace $0x8000004A;
	s4 =	simm.s32 $0x1;
	s5 =	smul.u32 $0x14, s5  }
0xc: {  	s6 =	sadd.s32 $0xA00, s6;
	s10 =	smov.u32 s2;
	[sflag:s4] =	ssyncpa.u1 $0x0  }
0xd: {  	p0 =	por $0x0, $0x0;
	[sflag:s7] =	ssyncpa.u1 $0x0;
	s7 =	sor.u32 $0x1, s5  }
.LBB1_4:
0xe: {  	s16 =	sshll.u32 s13, $0x3;
	s17 =	sand.u32 $0x78, s13  }
0xf: {  	s30 =	sand.u32 $0x1F800, s13;
	s12 =	sshll.u32 s12, $0x11;
	s16 =	sand.u32 $0x3C00, s16  }
0x10: {  	[tilespmem:s15+$0x810 ss:$0x81] =	vst.msk $0xffff, v2;
	s31 =	sand.u32 $0x7, s13;
	s16 =	sor.u32 s17, s16;
	s17 =	sadd.s32 s3, s30  }
0x11: {  	[tilespmem:s15+$0x1020 ss:$0x81] =	vst.msk $0xffff, v0;
	s13 =	sshll.u32 s31, $0x12;
	s12 =	sadd.s32 s12, s17;
	s16 =	sshrl.u32 s16, $0x3  }
0x12: {  	[tilespmem:s15+$0x0 ss:$0x81] =	vst.msk $0xffff, v1;
	s13 =	sor.u32 $0x400, s13;
	s12 =	sadd.s32 s16, s12  }
0x13: {  	[hbm4b:s12+s13] =	stream.strided.scatter [tilespmem:s14], [sflag:$0x2], $0x2000, s8, s13, $0x20;
	[tilespmem:$0x8080] =	vst v63  }
.LBB1_5:
0x14: {  	s14 =	sadd.s32 $0x1, s9  }
0x15: {  	s12 =	sadd.s32 $0x1000, s10;
	s16 =	smov.u32 s10;
	p2 =	sgt.s32 s14, $0x13  }
0x16: {  	s16 =	smov.u32 @p2 s12  }
0x17: {  	s14 =	simm.s32 @p2 $0x0;
	p2 =	sgt.s32 s16, $0x3FFF  }
0x18: {  	s16 =	smov.u32 @p2 s2;
	p2 =	sne.s32 s11, s7  }
.Ltmp1:
0x19: {  	p1 =	slt.u32 s11, $0x2;
	(pc) =	sbr.rel @!p2 .LBB1_6-.Ltmp1, $4  }
0x1a: {  	s15 =	simm.s32 @!p1 $0x2  }
0x1b: {  	s13 =	smov.u32 s10;
	p0 =	por !p0, !p0;
	_ =	swait.ge @!p1 [sflag:s15], $0x2000  }
0x1c: {  	s12 =	smov.u32 s9;
	[sflag:s15] =	ssyncset.done @!p1 $0x0;
	s9 =	smov.u32 s14  }
0x1d: {  	s11 =	sadd.s32 $0x1, s11;
	[sflag:s15] =	ssyncadd.s32 @!p1 $0xFFFFE000;
	s10 =	smov.u32 s16  }
.LBB1_1:
0x1e: {  	p1 =	sge.u32 s11, s5  }
0x1f: {  	s14 =	sand.u32 @!p1 $0x1FFFFFF, s9  }
0x20: {  	s15 =	smulhi.u32 @!p1 $0xAAAAAAB, s14;
	_ =	sdelay $0x1  }
0x21: {  	s15 =	smul.u32 @!p1 $0x18, s15  }
0x22: {  	s16 =	sxor.u32 @!p1 $0xFFFFFFFF, s11;
	s17 =	smul.u32 @!p1 $0x180, s10  }
0x23: {  	s31 =	sadd.s32 $0xFFFFFFFF, s11;
	s16 =	sshll.u32 @!p1 s16, $0xD;
	s14 =	ssub.s32 @!p1 s14, s15  }
0x24: {  	s15 =	sand.u32 @!p1 $0x2000, s16;
	s16 =	sadd.s32 @!p1 s6, s17;
	s14 =	sshll.u32 @!p1 s14, $0x4  }
0x25: {  	s17 =	simm.s32 @!p1 $0xC00;
	s14 =	sadd.s32 @!p1 s14, s16;
	s16 =	simm.s32 @!p1 $0x40  }
0x26: {  	[tilespmem:s15], [sflag:$0x1] =	stream.strided.gather @!p1 [hbm4b:s14+s16], $0x2000, s17, s16, $0x38;
	[tilespmem:$0x8080] =	vst v63  }
0x27: {  	p1 =	sge.u32 s31, s5  }
.Ltmp2:
0x28: {  	_ = 	snop;
	(pc) =	sbr.rel @p1 .LBB1_5-.Ltmp2, $1  }
0x29: {  	_ =	sdelay $0x3  }
0x2a: {  	s14 =	simm.s32 $0x1  }
0x2b: {  	_ =	swait.ge [sflag:s4], $0x2000;
	s14 =	simm.s32 @!p0 $0x0  }
0x2c: {  	[sflag:s4] =	ssyncset.done $0x0;
	s15 =	sshll.u32 s14, $0xD  }
0x2d: {  	[sflag:s4] =	ssyncadd.s32 $0xFFFFE000;
	s18 =	sor.u32 $0x20, s15  }
0x2e: {  	s14 =	smul.u32 $0x8100, s14;
	v3 =	vld [tilespmem:s18+$0x10]  }
0x2f: {  	s30 =	sand.u32 $0x1, s11;
	v2 =	vld [tilespmem:s18+$0xFFFFFFF0]  }
0x30: {  	s15 =	smul.u32 $0x8100, s30;
	s14 =	sshrl.u32 s14, $0x2;
	v0 =	vld [tilespmem:s18+$0x0]  }
0x31: {  	v1 =	vld [tilespmem:s18+$0xFFFFFFE0];
	s16 =	sor.u32 $0x4000, s14  }
0x32: {  	s31 =	sshrl.u32 s15, $0x2;
	s15 =	sadd.s32 $0x0, s16  }
0x33: {  	s17 =	simm.s32 $0x4;
	s18 =	sadd.s32 $0x40, s18;
	s14 =	sor.u32 $0x4000, s31;
	[tilespmem:s15+$0x1830 ss:$0x81] =	vst.msk $0xffff, v3  }
.LBB1_3:
0x34: {  	v3 =	vld [tilespmem:s18+$0x10];
	p1 =	sne.s32 s17, $0x1FC;
	[tilespmem:s15+$0x810 ss:$0x81] =	vst.msk $0xffff, v2;
	s19 =	smov.u32 s17;
	s17 =	sadd.s32 $0x4, s17  }
.Ltmp3:
0x35: {  	v2 =	vld [tilespmem:s18+$0xFFFFFFF0];
	[tilespmem:s15+$0x1020 ss:$0x81] =	vst.msk $0xffff, v0;
	(pc) =	sbr.rel @p1 .LBB1_3-.Ltmp3, $4  }
0x36: {  	v0 =	vld [tilespmem:s18+$0x0];
	[tilespmem:s15+$0x0 ss:$0x81] =	vst.msk $0xffff, v1  }
0x37: {  	s15 =	sshra.s32 s19, $0x2;
	v1 =	vld [tilespmem:s18+$0xFFFFFFE0]  }
0x38: {  	s15 =	sadd.s32 s15, s16  }
0x39: {  	s18 =	sadd.s32 $0x40, s18;
	[tilespmem:s15+$0x1830 ss:$0x81] =	vst.msk $0xffff, v3  }
.Ltmp4:
0x3a: {  	_ = 	snop;
	(pc) =	sbr.rel .LBB1_4-.Ltmp4, $1  }
0x3b: {  	_ =	sdelay $0x3  }
.LBB1_6:
0x3c: {  	_ =	sfence.sel $0x180000  }
0x3d: {  	s2 =	simm.s32 $0x1;
	[bflag:$0x0] =	sbarrier.arrive $0xFFFF  }
0x3e: {  	s31 =	simm.s32 $0x2;
	[sflag:s2] =	ssyncpa.u1 $0x1  }
0x3f: {  	[sflag:s31] =	ssyncpa.u1 $0x1  }
0x40: {  	p0 =	sne.s32 s0, $0x0;
	_ =	strace $0x9000004A  }
0x41: {  	s0 =	sadd.s32 @!p0 $0x100000, s1;
	[bflag:$0x2] =	sbarrier.arrive $0xFFFF  }
0x42: {  	[sflag:s0] =	ssyncadd.tile.s32 @!p0 $0x1;
	_ =	shalt  }
.Lfunc_end1:
_tile_overlayer_lowered:
.L_overlay_start_2:
0x43: {  	(tag) =	ssettag $0x2  }
0x44: {  	s0 =	rddreg [dreg:$0x0];
	s2 =	stileid.u32  }
0x45: {  	s1 =	rddreg [dreg:$0x1];
	p0 =	sne.s32 s2, $0x0  }
0x46: {  	s3 =	rddreg [dreg:$0x2];
	[bflag:$0x3] =	sbarrier.arrive $0xFFFF;
	s2 =	simm.s32 @!p0 $0x1C01  }
0x47: {  	[timem:s3], [sflag:s2] =	dma.local @!p0 [hbm:s0], s1  }
0x48: {  	s0 =	simm.s32 @!p0 $0x1  }
0x49: {  	_ =	swait.ge @!p0 [sflag:s0], s1  }
0x4a: {  	s1 =	ssub.s32 @!p0 $0x0, s1;
	[sflag:s0] =	ssyncset.done @!p0 $0x0  }
0x4b: {  	[sflag:s0] =	ssyncadd.s32 @!p0 s1  }
0x4c: {  	[bflag:$0x3] =	sbarrier.arrive $0xFFFF  }
0x4d: {  	_ =	shalt  }

</sc_bundles>
